<compile_context>
chip_gen: v7x
topology: tpu7x:2x2x1
jax: 0.10.2.dev20260603
libtpu: 0.0.44.dev20260713+nightly
codegen_flags: <defaults>
</compile_context>

<pallas_src>
import functools

import jax
import jax.numpy as jnp
from jax import lax
from jax.experimental import pallas as pl
from jax.experimental.pallas import tpu as pltpu
from jax.experimental.pallas import tpu_sc as plsc

NUM_USERS = 100000
NUM_ITEMS = 100000
EMB = 64
N_FEAT = 4
FEAT_VOCAB = 1000
FEAT_DIM = 32
LATENT = 64
B = 16384

NC, NS, L = 2, 16, 16
NW = NC * NS
BPW = B // NW
CHUNK = 128
NCHUNK = BPW // CHUNK
GROUPS = CHUNK // L

_SET_TYPES = [
    pltpu.VMEM((CHUNK,), jnp.int32),
    pltpu.VMEM((CHUNK,), jnp.int32),
    pltpu.VMEM((N_FEAT, CHUNK), jnp.int32),
    pltpu.VMEM((CHUNK, EMB), jnp.float32),
    pltpu.VMEM((CHUNK, LATENT), jnp.float32),
    pltpu.VMEM((CHUNK, EMB), jnp.float32),
    pltpu.VMEM((CHUNK, LATENT), jnp.float32),
    pltpu.VMEM((N_FEAT, CHUNK, FEAT_DIM), jnp.float32),
    pltpu.VMEM((N_FEAT, CHUNK, FEAT_DIM), jnp.float32),
    pltpu.VMEM((CHUNK,), jnp.float32),
    pltpu.VMEM((CHUNK,), jnp.float32),
]
_NSET = len(_SET_TYPES)


def _sc_body(uid_h, iid_h, uft_h, ue_h, ub_h, mf_h, ib_h, fu_h, fi_h,
             mean_h, va_h, lat_h, part_h, bias_h, *scratch):
    setA = scratch[:_NSET]
    mean_v, part_v, biasout_v, sem0, sem1 = scratch[_NSET:]
    bufsets = (setA,)
    sems = ((sem0, sem1),)

    wid = lax.axis_index("s") * NC + lax.axis_index("c")
    base = wid * BPW

    pltpu.sync_copy(mean_h, mean_v)

    def issue(ci, p):
        (uid_v, iid_v, fidx_v, UE_v, VA_v, MF_v, LAT_v,
         FU_v, FI_v, UB_v, IB_v) = bufsets[p]
        semA, semB = sems[p]
        cb = base + ci * CHUNK
        pltpu.sync_copy(uid_h.at[pl.ds(cb, CHUNK)], uid_v)
        pltpu.sync_copy(iid_h.at[pl.ds(cb, CHUNK)], iid_v)
        for f in range(N_FEAT):
            pltpu.sync_copy(uft_h.at[pl.ds(f * B + cb, CHUNK)], fidx_v.at[f])

        cpsA = [
            pltpu.async_copy(ue_h.at[uid_v], UE_v, semA),
            pltpu.async_copy(va_h.at[uid_v], VA_v, semA),
            pltpu.async_copy(mf_h.at[iid_v], MF_v, semA),
            pltpu.async_copy(lat_h.at[iid_v], LAT_v, semA),
        ]
        cpsB = [
            pltpu.async_copy(ub_h.at[uid_v], UB_v, semB),
            pltpu.async_copy(ib_h.at[iid_v], IB_v, semB),
        ]
        for f in range(N_FEAT):
            cpsB.append(pltpu.async_copy(fu_h.at[f].at[fidx_v.at[f]],
                                         FU_v.at[f], semB))
            cpsB.append(pltpu.async_copy(fi_h.at[f].at[iid_v],
                                         FI_v.at[f], semB))
        return cpsA, cpsB

    def compute(ci, p, wait_feat):
        (uid_v, iid_v, fidx_v, UE_v, VA_v, MF_v, LAT_v,
         FU_v, FI_v, UB_v, IB_v) = bufsets[p]
        cb = base + ci * CHUNK

        def row_body1(r, _):
            acc = UE_v[r, pl.ds(0, L)] * MF_v[r, pl.ds(0, L)]
            for k in range(1, EMB // L):
                acc += UE_v[r, pl.ds(k * L, L)] * MF_v[r, pl.ds(k * L, L)]
            for k in range(LATENT // L):
                acc += VA_v[r, pl.ds(k * L, L)] * LAT_v[r, pl.ds(k * L, L)]
            part_v[pl.ds(r * L, L)] = acc
            return 0

        lax.fori_loop(0, CHUNK, row_body1, 0)

        wait_feat()

        def row_body2(r, _):
            acc = part_v[pl.ds(r * L, L)]
            for f in range(N_FEAT):
                for k in range(FEAT_DIM // L):
                    acc += (FU_v[f, r, pl.ds(k * L, L)]
                            * FI_v[f, r, pl.ds(k * L, L)])
            part_v[pl.ds(r * L, L)] = acc
            return 0

        lax.fori_loop(0, CHUNK, row_body2, 0)

        def bias_body(g, _):
            biasout_v[pl.ds(g * L, L)] = (mean_v[...]
                                          + UB_v[pl.ds(g * L, L)]
                                          + IB_v[pl.ds(g * L, L)])
            return 0

        lax.fori_loop(0, GROUPS, bias_body, 0)

        pltpu.sync_copy(part_v, part_h.at[pl.ds(cb * L, CHUNK * L)])
        pltpu.sync_copy(biasout_v, bias_h.at[pl.ds(cb, CHUNK)])

    def chunk_body(ci, _):
        cpsA, cpsB = issue(ci, 0)
        for cp in cpsA:
            cp.wait()

        def wait_feat():
            for cp in cpsB:
                cp.wait()

        compute(ci, 0, wait_feat)
        return 0

    lax.fori_loop(0, NCHUNK, chunk_body, 0)


TC_BLK = 2048


def _tc_body(p_ref, b_ref, o_ref):
    o_ref[...] = jnp.sum(p_ref[...], axis=1) + b_ref[...]


@jax.jit
def _call(uid, iid, ufeat_t, ue, ub, mf, ib, fu, fi, mean16, va, lat):
    mesh = plsc.VectorSubcoreMesh(core_axis_name="c", subcore_axis_name="s",
                                  num_cores=NC, num_subcores=NS)
    sc = pl.kernel(
        _sc_body,
        out_type=[jax.ShapeDtypeStruct((B * L,), jnp.float32),
                  jax.ShapeDtypeStruct((B,), jnp.float32)],
        mesh=mesh,
        compiler_params=pltpu.CompilerParams(use_tc_tiling_on_sc=False),
        scratch_types=_SET_TYPES + [
            pltpu.VMEM((L,), jnp.float32),
            pltpu.VMEM((CHUNK * L,), jnp.float32),
            pltpu.VMEM((CHUNK,), jnp.float32),
            pltpu.SemaphoreType.DMA,
            pltpu.SemaphoreType.DMA,
        ],
    )
    partials, biases = sc(uid, iid, ufeat_t, ue, ub, mf, ib, fu, fi,
                          mean16, va, lat)
    out = pl.pallas_call(
        _tc_body,
        out_shape=jax.ShapeDtypeStruct((B,), jnp.float32),
        grid=(B // TC_BLK,),
        in_specs=[
            pl.BlockSpec((TC_BLK, L), lambda i: (i, 0)),
            pl.BlockSpec((TC_BLK,), lambda i: (i,)),
        ],
        out_specs=pl.BlockSpec((TC_BLK,), lambda i: (i,)),
    )(partials.reshape(B, L), biases)
    return out


def kernel(uid, iid, u_feat, user_emb, user_bias, item_emb_mf, item_bias,
           feat_u, feat_i, mean, vae_mean, item_emb_lat):
    return _call(uid, iid, u_feat.T.reshape(-1), user_emb,
                 user_bias.reshape(-1), item_emb_mf, item_bias.reshape(-1),
                 feat_u, feat_i,
                 jnp.broadcast_to(mean, (L,)), vae_mean, item_emb_lat)

# --- scband reference (transcript-rebuilt; emitter-appended) ---
"""Pipeline reference for scband-deep-causal-18116172054758 (READ-ONLY COPY).

The authoritative reference and input builder live on the scoring server;
editing this copy changes nothing except your own understanding.
"""

import jax, jax.numpy as jnp
import numpy as np

NUM_USERS = 100000
NUM_ITEMS = 100000
EMB = 64
N_FEAT = 4
FEAT_VOCAB = 1000
FEAT_DIM = 32
LATENT = 64
B = 16384


def setup_inputs(seed: int = 0) -> dict:
    key = jax.random.key(seed)
    ks = jax.random.split(key, 12)
    uid = jax.random.randint(ks[0], (B,), 0, NUM_USERS, dtype=jnp.int64 if jax.config.jax_enable_x64 else jnp.int32).astype(jnp.int32)
    iid = jax.random.randint(ks[1], (B,), 0, NUM_ITEMS).astype(jnp.int32)
    u_feat = jax.random.randint(ks[2], (B, N_FEAT), 0, FEAT_VOCAB).astype(jnp.int32)
    s = 0.01
    user_emb = jax.random.uniform(ks[3], (NUM_USERS, EMB), minval=-s, maxval=s, dtype=jnp.float32)
    user_bias = jax.random.uniform(ks[4], (NUM_USERS, 1), minval=-s, maxval=s, dtype=jnp.float32)
    item_emb_mf = jax.random.uniform(ks[5], (NUM_ITEMS, EMB), minval=-s, maxval=s, dtype=jnp.float32)
    item_bias = jax.random.uniform(ks[6], (NUM_ITEMS, 1), minval=-s, maxval=s, dtype=jnp.float32)
    feat_u = jax.random.uniform(ks[7], (N_FEAT, FEAT_VOCAB, FEAT_DIM), minval=-s, maxval=s, dtype=jnp.float32)
    feat_i = jax.random.uniform(ks[8], (N_FEAT, NUM_ITEMS, FEAT_DIM), minval=-s, maxval=s, dtype=jnp.float32)
    mean = jnp.zeros((1,), jnp.float32)
    vae_mean = jax.random.normal(ks[9], (NUM_USERS, LATENT), dtype=jnp.float32) * 0.1
    item_emb_lat = jax.random.uniform(ks[10], (NUM_ITEMS, LATENT), minval=-0.05, maxval=0.05, dtype=jnp.float32)
    return {
        'uid': uid, 'iid': iid, 'u_feat': u_feat,
        'user_emb': user_emb, 'user_bias': user_bias,
        'item_emb_mf': item_emb_mf, 'item_bias': item_bias,
        'feat_u': feat_u, 'feat_i': feat_i, 'mean': mean,
        'vae_mean': vae_mean, 'item_emb_lat': item_emb_lat,
    }


def reference(uid, iid, u_feat, user_emb, user_bias, item_emb_mf, item_bias, feat_u, feat_i, mean, vae_mean, item_emb_lat):
    # MFwithFeature forward
    U = jnp.take(user_emb, uid, axis=0)
    b_u = jnp.take(user_bias, uid, axis=0)[:, 0]
    I = jnp.take(item_emb_mf, iid, axis=0)
    b_i = jnp.take(item_bias, iid, axis=0)[:, 0]
    Y = jnp.zeros((uid.shape[0],), jnp.float32)
    for i in range(u_feat.shape[1]):
        fu = jnp.take(feat_u[i], u_feat[:, i], axis=0)
        fi = jnp.take(feat_i[i], iid, axis=0)
        Y = Y + (fu * fi).sum(axis=1)
    mf_output = (U * I).sum(axis=1) + b_u + b_i + mean[0] + Y
    # DeepCausal latent regression (sample=False)
    z = jnp.take(vae_mean, uid, axis=0)
    i_emb = jnp.take(item_emb_lat, iid, axis=0)
    latent_regression = (i_emb * z).sum(axis=1)
    return mf_output + latent_regression


if False:  # reference __main__ guard neutralized (emitter)
    out = reference(**setup_inputs())
    print(out.shape, out.dtype)

if __name__ == "__main__":
    import jax
    _d = setup_inputs()
    print(jax.jit(kernel)(*tuple(_d.values())))

</pallas_src>

<mosaic_0001>
#map = affine_map<(d0, d1) -> (0)>
#map1 = affine_map<(d0, d1) -> (0, 0)>
#map2 = affine_map<(d0, d1) -> (0, 0, 0)>
module attributes {stable_mosaic.version = 14 : i64} {
  func.func @_sc_body(%arg0: i32, %arg1: i32, %arg2: memref<16384xi32, #tpu.memory_space<hbm>>, %arg3: memref<16384xi32, #tpu.memory_space<hbm>>, %arg4: memref<65536xi32, #tpu.memory_space<hbm>>, %arg5: memref<100000x64xf32, #tpu.memory_space<hbm>>, %arg6: memref<100000xf32, #tpu.memory_space<hbm>>, %arg7: memref<100000x64xf32, #tpu.memory_space<hbm>>, %arg8: memref<100000xf32, #tpu.memory_space<hbm>>, %arg9: memref<4x1000x32xf32, #tpu.memory_space<hbm>>, %arg10: memref<4x100000x32xf32, #tpu.memory_space<hbm>>, %arg11: memref<16xf32, #tpu.memory_space<hbm>>, %arg12: memref<100000x64xf32, #tpu.memory_space<hbm>>, %arg13: memref<100000x64xf32, #tpu.memory_space<hbm>>, %arg14: memref<262144xf32, #tpu.memory_space<hbm>>, %arg15: memref<16384xf32, #tpu.memory_space<hbm>>, %arg16: memref<128xi32, #tpu.memory_space<vmem>>, %arg17: memref<128xi32, #tpu.memory_space<vmem>>, %arg18: memref<4x128xi32, #tpu.memory_space<vmem>>, %arg19: memref<128x64xf32, #tpu.memory_space<vmem>>, %arg20: memref<128x64xf32, #tpu.memory_space<vmem>>, %arg21: memref<128x64xf32, #tpu.memory_space<vmem>>, %arg22: memref<128x64xf32, #tpu.memory_space<vmem>>, %arg23: memref<4x128x32xf32, #tpu.memory_space<vmem>>, %arg24: memref<4x128x32xf32, #tpu.memory_space<vmem>>, %arg25: memref<128xf32, #tpu.memory_space<vmem>>, %arg26: memref<128xf32, #tpu.memory_space<vmem>>, %arg27: memref<16xf32, #tpu.memory_space<vmem>>, %arg28: memref<2048xf32, #tpu.memory_space<vmem>>, %arg29: memref<128xf32, #tpu.memory_space<vmem>>, %arg30: memref<!tpu.dma_semaphore, #tpu.memory_space<semaphore_mem>>, %arg31: memref<!tpu.dma_semaphore, #tpu.memory_space<semaphore_mem>>) attributes {dimension_semantics = [#tpu.dimension_semantics<core_parallel>, #tpu.dimension_semantics<subcore_parallel>], iteration_bounds = array<i64: 2, 16>, scalar_prefetch = 0 : i64, scratch_operands = 16 : i64, tpu.core_type = #tpu.core_type<sc_vector_subcore>, window_params = [{transform_indices = #map}, {transform_indices = #map}, {transform_indices = #map}, {transform_indices = #map1}, {transform_indices = #map}, {transform_indices = #map1}, {transform_indices = #map}, {transform_indices = #map2}, {transform_indices = #map2}, {transform_indices = #map}, {transform_indices = #map1}, {transform_indices = #map1}, {transform_indices = #map}, {transform_indices = #map}]} {
    %mul3A = arith.constant 2 : i32
    %mul3A_0 = arith.muli %arg1, %mul3A : i32
    %add3A = arith.addi %mul3A_0, %arg0 : i32
    %mul3A_1 = arith.constant 512 : i32
    %mul3A_2 = arith.muli %add3A, %mul3A_1 : i32
    "tpu.region"() ({
      %run_scoped3A = tpu.sem_alloc : memref<!tpu.dma_semaphore, #tpu.memory_space<semaphore_mem>>
      tpu.enqueue_dma source(%arg11 : memref<16xf32, #tpu.memory_space<hbm>>) target(%arg27 : memref<16xf32, #tpu.memory_space<vmem>>) target_semaphore(%run_scoped3A : memref<!tpu.dma_semaphore, #tpu.memory_space<semaphore_mem>>)
      tpu.wait_dma2 semaphore(%run_scoped3A : memref<!tpu.dma_semaphore, #tpu.memory_space<semaphore_mem>>) src(%arg11 : memref<16xf32, #tpu.memory_space<hbm>>) dst(%arg27 : memref<16xf32, #tpu.memory_space<vmem>>)
      tpu.yield
    }) : () -> ()
    %scan3A = arith.constant 0 : i32
    %scan3A_3 = arith.constant 0 : i32
    %scan3A_4 = arith.constant 4 : i32
    %scan3A_5 = arith.addi %scan3A_3, %scan3A_4 : i32
    %scan3A_6 = arith.constant 1 : i32
    %scan3A_7 = scf.for %scan3A_9 = %scan3A_3 to %scan3A_5 step %scan3A_6 iter_args(%scan3A_10 = %scan3A) -> (i32)  : i32 {
      %mul3A_11 = arith.constant 128 : i32
      %mul3A_12 = arith.muli %scan3A_9, %mul3A_11 : i32
      %add3A_13 = arith.addi %mul3A_2, %mul3A_12 : i32
      "tpu.region"() ({
        %run_scoped3A_322 = tpu.sem_alloc : memref<!tpu.dma_semaphore, #tpu.memory_space<semaphore_mem>>
        %dma_start3A_323 = tpu.memref_slice %arg2[%add3A_13] : memref<16384xi32, #tpu.memory_space<hbm>> -> memref<128xi32, #tpu.memory_space<hbm>>
        %dma_start3A_324 = tpu.memref_slice %arg2[%add3A_13] : memref<16384xi32, #tpu.memory_space<hbm>> -> memref<128xi32, #tpu.memory_space<hbm>>
        tpu.enqueue_dma source(%dma_start3A_324 : memref<128xi32, #tpu.memory_space<hbm>>) target(%arg16 : memref<128xi32, #tpu.memory_space<vmem>>) target_semaphore(%run_scoped3A_322 : memref<!tpu.dma_semaphore, #tpu.memory_space<semaphore_mem>>)
        %dma_wait3A_325 = tpu.memref_slice %arg2[%add3A_13] : memref<16384xi32, #tpu.memory_space<hbm>> -> memref<128xi32, #tpu.memory_space<hbm>>
        %dma_wait3A_326 = tpu.memref_slice %arg2[%add3A_13] : memref<16384xi32, #tpu.memory_space<hbm>> -> memref<128xi32, #tpu.memory_space<hbm>>
        tpu.wait_dma2 semaphore(%run_scoped3A_322 : memref<!tpu.dma_semaphore, #tpu.memory_space<semaphore_mem>>) src(%dma_wait3A_326 : memref<128xi32, #tpu.memory_space<hbm>>) dst(%arg16 : memref<128xi32, #tpu.memory_space<vmem>>)
        tpu.yield
      }) : () -> ()
      "tpu.region"() ({
        %run_scoped3A_322 = tpu.sem_alloc : memref<!tpu.dma_semaphore, #tpu.memory_space<semaphore_mem>>
        %dma_start3A_323 = tpu.memref_slice %arg3[%add3A_13] : memref<16384xi32, #tpu.memory_space<hbm>> -> memref<128xi32, #tpu.memory_space<hbm>>
        %dma_start3A_324 = tpu.memref_slice %arg3[%add3A_13] : memref<16384xi32, #tpu.memory_space<hbm>> -> memref<128xi32, #tpu.memory_space<hbm>>
        tpu.enqueue_dma source(%dma_start3A_324 : memref<128xi32, #tpu.memory_space<hbm>>) target(%arg17 : memref<128xi32, #tpu.memory_space<vmem>>) target_semaphore(%run_scoped3A_322 : memref<!tpu.dma_semaphore, #tpu.memory_space<semaphore_mem>>)
        %dma_wait3A_325 = tpu.memref_slice %arg3[%add3A_13] : memref<16384xi32, #tpu.memory_space<hbm>> -> memref<128xi32, #tpu.memory_space<hbm>>
        %dma_wait3A_326 = tpu.memref_slice %arg3[%add3A_13] : memref<16384xi32, #tpu.memory_space<hbm>> -> memref<128xi32, #tpu.memory_space<hbm>>
        tpu.wait_dma2 semaphore(%run_scoped3A_322 : memref<!tpu.dma_semaphore, #tpu.memory_space<semaphore_mem>>) src(%dma_wait3A_326 : memref<128xi32, #tpu.memory_space<hbm>>) dst(%arg17 : memref<128xi32, #tpu.memory_space<vmem>>)
        tpu.yield
      }) : () -> ()
      %add3A_14 = arith.constant 0 : i32
      %add3A_15 = arith.addi %add3A_14, %add3A_13 : i32
      %run_scoped3A = arith.constant 0 : i32
      "tpu.region"() ({
        %run_scoped3A_322 = tpu.sem_alloc : memref<!tpu.dma_semaphore, #tpu.memory_space<semaphore_mem>>
        %dma_start3A_323 = arith.constant 0 : i32
        %dma_start3A_324 = tpu.memref_slice %arg18[%run_scoped3A, %dma_start3A_323] : memref<4x128xi32, #tpu.memory_space<vmem>> -> memref<1x128xi32, #tpu.memory_space<vmem>>
        %dma_start3A_325 = tpu.memref_squeeze %dma_start3A_324 : memref<1x128xi32, #tpu.memory_space<vmem>> -> memref<128xi32, #tpu.memory_space<vmem>>
        %dma_start3A_326 = tpu.memref_slice %arg4[%add3A_15] : memref<65536xi32, #tpu.memory_space<hbm>> -> memref<128xi32, #tpu.memory_space<hbm>>
        %dma_start3A_327 = arith.constant 0 : i32
        %dma_start3A_328 = tpu.memref_slice %arg18[%run_scoped3A, %dma_start3A_327] : memref<4x128xi32, #tpu.memory_space<vmem>> -> memref<1x128xi32, #tpu.memory_space<vmem>>
        %dma_start3A_329 = tpu.memref_squeeze %dma_start3A_328 : memref<1x128xi32, #tpu.memory_space<vmem>> -> memref<128xi32, #tpu.memory_space<vmem>>
        %dma_start3A_330 = tpu.memref_slice %arg4[%add3A_15] : memref<65536xi32, #tpu.memory_space<hbm>> -> memref<128xi32, #tpu.memory_space<hbm>>
        tpu.enqueue_dma source(%dma_start3A_330 : memref<128xi32, #tpu.memory_space<hbm>>) target(%dma_start3A_329 : memref<128xi32, #tpu.memory_space<vmem>>) target_semaphore(%run_scoped3A_322 : memref<!tpu.dma_semaphore, #tpu.memory_space<semaphore_mem>>)
        %dma_wait3A_331 = arith.constant 0 : i32
        %dma_wait3A_332 = tpu.memref_slice %arg18[%run_scoped3A, %dma_wait3A_331] : memref<4x128xi32, #tpu.memory_space<vmem>> -> memref<1x128xi32, #tpu.memory_space<vmem>>
        %dma_wait3A_333 = tpu.memref_squeeze %dma_wait3A_332 : memref<1x128xi32, #tpu.memory_space<vmem>> -> memref<128xi32, #tpu.memory_space<vmem>>
        %dma_wait3A_334 = tpu.memref_slice %arg4[%add3A_15] : memref<65536xi32, #tpu.memory_space<hbm>> -> memref<128xi32, #tpu.memory_space<hbm>>
        %dma_wait3A_335 = arith.constant 0 : i32
        %dma_wait3A_336 = tpu.memref_slice %arg18[%run_scoped3A, %dma_wait3A_335] : memref<4x128xi32, #tpu.memory_space<vmem>> -> memref<1x128xi32, #tpu.memory_space<vmem>>
        %dma_wait3A_337 = tpu.memref_squeeze %dma_wait3A_336 : memref<1x128xi32, #tpu.memory_space<vmem>> -> memref<128xi32, #tpu.memory_space<vmem>>
        %dma_wait3A_338 = tpu.memref_slice %arg4[%add3A_15] : memref<65536xi32, #tpu.memory_space<hbm>> -> memref<128xi32, #tpu.memory_space<hbm>>
        tpu.wait_dma2 semaphore(%run_scoped3A_322 : memref<!tpu.dma_semaphore, #tpu.memory_space<semaphore_mem>>) src(%dma_wait3A_338 : memref<128xi32, #tpu.memory_space<hbm>>) dst(%dma_wait3A_337 : memref<128xi32, #tpu.memory_space<vmem>>)
        tpu.yield
      }) : () -> ()
      %add3A_16 = arith.constant 16384 : i32
      %add3A_17 = arith.addi %add3A_16, %add3A_13 : i32
      %run_scoped3A_18 = arith.constant 1 : i32
      "tpu.region"() ({
        %run_scoped3A_322 = tpu.sem_alloc : memref<!tpu.dma_semaphore, #tpu.memory_space<semaphore_mem>>
        %dma_start3A_323 = arith.constant 0 : i32
        %dma_start3A_324 = tpu.memref_slice %arg18[%run_scoped3A_18, %dma_start3A_323] : memref<4x128xi32, #tpu.memory_space<vmem>> -> memref<1x128xi32, #tpu.memory_space<vmem>>
        %dma_start3A_325 = tpu.memref_squeeze %dma_start3A_324 : memref<1x128xi32, #tpu.memory_space<vmem>> -> memref<128xi32, #tpu.memory_space<vmem>>
        %dma_start3A_326 = tpu.memref_slice %arg4[%add3A_17] : memref<65536xi32, #tpu.memory_space<hbm>> -> memref<128xi32, #tpu.memory_space<hbm>>
        %dma_start3A_327 = arith.constant 0 : i32
        %dma_start3A_328 = tpu.memref_slice %arg18[%run_scoped3A_18, %dma_start3A_327] : memref<4x128xi32, #tpu.memory_space<vmem>> -> memref<1x128xi32, #tpu.memory_space<vmem>>
        %dma_start3A_329 = tpu.memref_squeeze %dma_start3A_328 : memref<1x128xi32, #tpu.memory_space<vmem>> -> memref<128xi32, #tpu.memory_space<vmem>>
        %dma_start3A_330 = tpu.memref_slice %arg4[%add3A_17] : memref<65536xi32, #tpu.memory_space<hbm>> -> memref<128xi32, #tpu.memory_space<hbm>>
        tpu.enqueue_dma source(%dma_start3A_330 : memref<128xi32, #tpu.memory_space<hbm>>) target(%dma_start3A_329 : memref<128xi32, #tpu.memory_space<vmem>>) target_semaphore(%run_scoped3A_322 : memref<!tpu.dma_semaphore, #tpu.memory_space<semaphore_mem>>)
        %dma_wait3A_331 = arith.constant 0 : i32
        %dma_wait3A_332 = tpu.memref_slice %arg18[%run_scoped3A_18, %dma_wait3A_331] : memref<4x128xi32, #tpu.memory_space<vmem>> -> memref<1x128xi32, #tpu.memory_space<vmem>>
        %dma_wait3A_333 = tpu.memref_squeeze %dma_wait3A_332 : memref<1x128xi32, #tpu.memory_space<vmem>> -> memref<128xi32, #tpu.memory_space<vmem>>
        %dma_wait3A_334 = tpu.memref_slice %arg4[%add3A_17] : memref<65536xi32, #tpu.memory_space<hbm>> -> memref<128xi32, #tpu.memory_space<hbm>>
        %dma_wait3A_335 = arith.constant 0 : i32
        %dma_wait3A_336 = tpu.memref_slice %arg18[%run_scoped3A_18, %dma_wait3A_335] : memref<4x128xi32, #tpu.memory_space<vmem>> -> memref<1x128xi32, #tpu.memory_space<vmem>>
        %dma_wait3A_337 = tpu.memref_squeeze %dma_wait3A_336 : memref<1x128xi32, #tpu.memory_space<vmem>> -> memref<128xi32, #tpu.memory_space<vmem>>
        %dma_wait3A_338 = tpu.memref_slice %arg4[%add3A_17] : memref<65536xi32, #tpu.memory_space<hbm>> -> memref<128xi32, #tpu.memory_space<hbm>>
        tpu.wait_dma2 semaphore(%run_scoped3A_322 : memref<!tpu.dma_semaphore, #tpu.memory_space<semaphore_mem>>) src(%dma_wait3A_338 : memref<128xi32, #tpu.memory_space<hbm>>) dst(%dma_wait3A_337 : memref<128xi32, #tpu.memory_space<vmem>>)
        tpu.yield
      }) : () -> ()
      %add3A_19 = arith.constant 32768 : i32
      %add3A_20 = arith.addi %add3A_19, %add3A_13 : i32
      %run_scoped3A_21 = arith.constant 2 : i32
      "tpu.region"() ({
        %run_scoped3A_322 = tpu.sem_alloc : memref<!tpu.dma_semaphore, #tpu.memory_space<semaphore_mem>>
        %dma_start3A_323 = arith.constant 0 : i32
        %dma_start3A_324 = tpu.memref_slice %arg18[%run_scoped3A_21, %dma_start3A_323] : memref<4x128xi32, #tpu.memory_space<vmem>> -> memref<1x128xi32, #tpu.memory_space<vmem>>
        %dma_start3A_325 = tpu.memref_squeeze %dma_start3A_324 : memref<1x128xi32, #tpu.memory_space<vmem>> -> memref<128xi32, #tpu.memory_space<vmem>>
        %dma_start3A_326 = tpu.memref_slice %arg4[%add3A_20] : memref<65536xi32, #tpu.memory_space<hbm>> -> memref<128xi32, #tpu.memory_space<hbm>>
        %dma_start3A_327 = arith.constant 0 : i32
        %dma_start3A_328 = tpu.memref_slice %arg18[%run_scoped3A_21, %dma_start3A_327] : memref<4x128xi32, #tpu.memory_space<vmem>> -> memref<1x128xi32, #tpu.memory_space<vmem>>
        %dma_start3A_329 = tpu.memref_squeeze %dma_start3A_328 : memref<1x128xi32, #tpu.memory_space<vmem>> -> memref<128xi32, #tpu.memory_space<vmem>>
        %dma_start3A_330 = tpu.memref_slice %arg4[%add3A_20] : memref<65536xi32, #tpu.memory_space<hbm>> -> memref<128xi32, #tpu.memory_space<hbm>>
        tpu.enqueue_dma source(%dma_start3A_330 : memref<128xi32, #tpu.memory_space<hbm>>) target(%dma_start3A_329 : memref<128xi32, #tpu.memory_space<vmem>>) target_semaphore(%run_scoped3A_322 : memref<!tpu.dma_semaphore, #tpu.memory_space<semaphore_mem>>)
        %dma_wait3A_331 = arith.constant 0 : i32
        %dma_wait3A_332 = tpu.memref_slice %arg18[%run_scoped3A_21, %dma_wait3A_331] : memref<4x128xi32, #tpu.memory_space<vmem>> -> memref<1x128xi32, #tpu.memory_space<vmem>>
        %dma_wait3A_333 = tpu.memref_squeeze %dma_wait3A_332 : memref<1x128xi32, #tpu.memory_space<vmem>> -> memref<128xi32, #tpu.memory_space<vmem>>
        %dma_wait3A_334 = tpu.memref_slice %arg4[%add3A_20] : memref<65536xi32, #tpu.memory_space<hbm>> -> memref<128xi32, #tpu.memory_space<hbm>>
        %dma_wait3A_335 = arith.constant 0 : i32
        %dma_wait3A_336 = tpu.memref_slice %arg18[%run_scoped3A_21, %dma_wait3A_335] : memref<4x128xi32, #tpu.memory_space<vmem>> -> memref<1x128xi32, #tpu.memory_space<vmem>>
        %dma_wait3A_337 = tpu.memref_squeeze %dma_wait3A_336 : memref<1x128xi32, #tpu.memory_space<vmem>> -> memref<128xi32, #tpu.memory_space<vmem>>
        %dma_wait3A_338 = tpu.memref_slice %arg4[%add3A_20] : memref<65536xi32, #tpu.memory_space<hbm>> -> memref<128xi32, #tpu.memory_space<hbm>>
        tpu.wait_dma2 semaphore(%run_scoped3A_322 : memref<!tpu.dma_semaphore, #tpu.memory_space<semaphore_mem>>) src(%dma_wait3A_338 : memref<128xi32, #tpu.memory_space<hbm>>) dst(%dma_wait3A_337 : memref<128xi32, #tpu.memory_space<vmem>>)
        tpu.yield
      }) : () -> ()
      %add3A_22 = arith.constant 49152 : i32
      %add3A_23 = arith.addi %add3A_22, %add3A_13 : i32
      %run_scoped3A_24 = arith.constant 3 : i32
      "tpu.region"() ({
        %run_scoped3A_322 = tpu.sem_alloc : memref<!tpu.dma_semaphore, #tpu.memory_space<semaphore_mem>>
        %dma_start3A_323 = arith.constant 0 : i32
        %dma_start3A_324 = tpu.memref_slice %arg18[%run_scoped3A_24, %dma_start3A_323] : memref<4x128xi32, #tpu.memory_space<vmem>> -> memref<1x128xi32, #tpu.memory_space<vmem>>
        %dma_start3A_325 = tpu.memref_squeeze %dma_start3A_324 : memref<1x128xi32, #tpu.memory_space<vmem>> -> memref<128xi32, #tpu.memory_space<vmem>>
        %dma_start3A_326 = tpu.memref_slice %arg4[%add3A_23] : memref<65536xi32, #tpu.memory_space<hbm>> -> memref<128xi32, #tpu.memory_space<hbm>>
        %dma_start3A_327 = arith.constant 0 : i32
        %dma_start3A_328 = tpu.memref_slice %arg18[%run_scoped3A_24, %dma_start3A_327] : memref<4x128xi32, #tpu.memory_space<vmem>> -> memref<1x128xi32, #tpu.memory_space<vmem>>
        %dma_start3A_329 = tpu.memref_squeeze %dma_start3A_328 : memref<1x128xi32, #tpu.memory_space<vmem>> -> memref<128xi32, #tpu.memory_space<vmem>>
        %dma_start3A_330 = tpu.memref_slice %arg4[%add3A_23] : memref<65536xi32, #tpu.memory_space<hbm>> -> memref<128xi32, #tpu.memory_space<hbm>>
        tpu.enqueue_dma source(%dma_start3A_330 : memref<128xi32, #tpu.memory_space<hbm>>) target(%dma_start3A_329 : memref<128xi32, #tpu.memory_space<vmem>>) target_semaphore(%run_scoped3A_322 : memref<!tpu.dma_semaphore, #tpu.memory_space<semaphore_mem>>)
        %dma_wait3A_331 = arith.constant 0 : i32
        %dma_wait3A_332 = tpu.memref_slice %arg18[%run_scoped3A_24, %dma_wait3A_331] : memref<4x128xi32, #tpu.memory_space<vmem>> -> memref<1x128xi32, #tpu.memory_space<vmem>>
        %dma_wait3A_333 = tpu.memref_squeeze %dma_wait3A_332 : memref<1x128xi32, #tpu.memory_space<vmem>> -> memref<128xi32, #tpu.memory_space<vmem>>
        %dma_wait3A_334 = tpu.memref_slice %arg4[%add3A_23] : memref<65536xi32, #tpu.memory_space<hbm>> -> memref<128xi32, #tpu.memory_space<hbm>>
        %dma_wait3A_335 = arith.constant 0 : i32
        %dma_wait3A_336 = tpu.memref_slice %arg18[%run_scoped3A_24, %dma_wait3A_335] : memref<4x128xi32, #tpu.memory_space<vmem>> -> memref<1x128xi32, #tpu.memory_space<vmem>>
        %dma_wait3A_337 = tpu.memref_squeeze %dma_wait3A_336 : memref<1x128xi32, #tpu.memory_space<vmem>> -> memref<128xi32, #tpu.memory_space<vmem>>
        %dma_wait3A_338 = tpu.memref_slice %arg4[%add3A_23] : memref<65536xi32, #tpu.memory_space<hbm>> -> memref<128xi32, #tpu.memory_space<hbm>>
        tpu.wait_dma2 semaphore(%run_scoped3A_322 : memref<!tpu.dma_semaphore, #tpu.memory_space<semaphore_mem>>) src(%dma_wait3A_338 : memref<128xi32, #tpu.memory_space<hbm>>) dst(%dma_wait3A_337 : memref<128xi32, #tpu.memory_space<vmem>>)
        tpu.yield
      }) : () -> ()
      %dma_start3A = arith.constant 0 : i32
      %dma_start3A_25 = arith.constant 0 : i32
      %dma_start3A_26 = tpu.memref_slice %arg5[%dma_start3A, %dma_start3A_25] : memref<100000x64xf32, #tpu.memory_space<hbm>> -> memref<100000x64xf32, #tpu.memory_space<hbm>>
      tpu.enqueue_indirect_dma source(%dma_start3A_26 : memref<100000x64xf32, #tpu.memory_space<hbm>>) target(%arg19 : memref<128x64xf32, #tpu.memory_space<vmem>>) offsets(%arg16 : memref<128xi32, #tpu.memory_space<vmem>>) semaphore(%arg30 : memref<!tpu.dma_semaphore, #tpu.memory_space<semaphore_mem>>)
      %dma_start3A_27 = arith.constant 0 : i32
      %dma_start3A_28 = arith.constant 0 : i32
      %dma_start3A_29 = tpu.memref_slice %arg12[%dma_start3A_27, %dma_start3A_28] : memref<100000x64xf32, #tpu.memory_space<hbm>> -> memref<100000x64xf32, #tpu.memory_space<hbm>>
      tpu.enqueue_indirect_dma source(%dma_start3A_29 : memref<100000x64xf32, #tpu.memory_space<hbm>>) target(%arg20 : memref<128x64xf32, #tpu.memory_space<vmem>>) offsets(%arg16 : memref<128xi32, #tpu.memory_space<vmem>>) semaphore(%arg30 : memref<!tpu.dma_semaphore, #tpu.memory_space<semaphore_mem>>)
      %dma_start3A_30 = arith.constant 0 : i32
      %dma_start3A_31 = arith.constant 0 : i32
      %dma_start3A_32 = tpu.memref_slice %arg7[%dma_start3A_30, %dma_start3A_31] : memref<100000x64xf32, #tpu.memory_space<hbm>> -> memref<100000x64xf32, #tpu.memory_space<hbm>>
      tpu.enqueue_indirect_dma source(%dma_start3A_32 : memref<100000x64xf32, #tpu.memory_space<hbm>>) target(%arg21 : memref<128x64xf32, #tpu.memory_space<vmem>>) offsets(%arg17 : memref<128xi32, #tpu.memory_space<vmem>>) semaphore(%arg30 : memref<!tpu.dma_semaphore, #tpu.memory_space<semaphore_mem>>)
      %dma_start3A_33 = arith.constant 0 : i32
      %dma_start3A_34 = arith.constant 0 : i32
      %dma_start3A_35 = tpu.memref_slice %arg13[%dma_start3A_33, %dma_start3A_34] : memref<100000x64xf32, #tpu.memory_space<hbm>> -> memref<100000x64xf32, #tpu.memory_space<hbm>>
      tpu.enqueue_indirect_dma source(%dma_start3A_35 : memref<100000x64xf32, #tpu.memory_space<hbm>>) target(%arg22 : memref<128x64xf32, #tpu.memory_space<vmem>>) offsets(%arg17 : memref<128xi32, #tpu.memory_space<vmem>>) semaphore(%arg30 : memref<!tpu.dma_semaphore, #tpu.memory_space<semaphore_mem>>)
      %dma_start3A_36 = arith.constant 0 : i32
      %dma_start3A_37 = tpu.memref_slice %arg6[%dma_start3A_36] : memref<100000xf32, #tpu.memory_space<hbm>> -> memref<100000xf32, #tpu.memory_space<hbm>>
      tpu.enqueue_indirect_dma source(%dma_start3A_37 : memref<100000xf32, #tpu.memory_space<hbm>>) target(%arg25 : memref<128xf32, #tpu.memory_space<vmem>>) offsets(%arg16 : memref<128xi32, #tpu.memory_space<vmem>>) semaphore(%arg31 : memref<!tpu.dma_semaphore, #tpu.memory_space<semaphore_mem>>)
      %dma_start3A_38 = arith.constant 0 : i32
      %dma_start3A_39 = tpu.memref_slice %arg8[%dma_start3A_38] : memref<100000xf32, #tpu.memory_space<hbm>> -> memref<100000xf32, #tpu.memory_space<hbm>>
      tpu.enqueue_indirect_dma source(%dma_start3A_39 : memref<100000xf32, #tpu.memory_space<hbm>>) target(%arg26 : memref<128xf32, #tpu.memory_space<vmem>>) offsets(%arg17 : memref<128xi32, #tpu.memory_space<vmem>>) semaphore(%arg31 : memref<!tpu.dma_semaphore, #tpu.memory_space<semaphore_mem>>)
      %dma_start3A_40 = arith.constant 0 : i32
      %dma_start3A_41 = arith.constant 0 : i32
      %dma_start3A_42 = arith.constant 0 : i32
      %dma_start3A_43 = arith.constant 0 : i32
      %dma_start3A_44 = arith.constant 0 : i32
      %dma_start3A_45 = tpu.memref_slice %arg23[%dma_start3A_42, %dma_start3A_43, %dma_start3A_44] : memref<4x128x32xf32, #tpu.memory_space<vmem>> -> memref<1x128x32xf32, #tpu.memory_space<vmem>>
      %dma_start3A_46 = tpu.memref_squeeze %dma_start3A_45 : memref<1x128x32xf32, #tpu.memory_space<vmem>> -> memref<128x32xf32, #tpu.memory_space<vmem>>
      %dma_start3A_47 = arith.constant 0 : i32
      %dma_start3A_48 = tpu.memref_slice %arg18[%dma_start3A_41, %dma_start3A_47] : memref<4x128xi32, #tpu.memory_space<vmem>> -> memref<1x128xi32, #tpu.memory_space<vmem>>
      %dma_start3A_49 = tpu.memref_squeeze %dma_start3A_48 : memref<1x128xi32, #tpu.memory_space<vmem>> -> memref<128xi32, #tpu.memory_space<vmem>>
      %dma_start3A_50 = arith.constant 0 : i32
      %dma_start3A_51 = arith.constant 0 : i32
      %dma_start3A_52 = tpu.memref_slice %arg9[%dma_start3A_40, %dma_start3A_50, %dma_start3A_51] : memref<4x1000x32xf32, #tpu.memory_space<hbm>> -> memref<1x1000x32xf32, #tpu.memory_space<hbm>>
      %dma_start3A_53 = tpu.memref_squeeze %dma_start3A_52 : memref<1x1000x32xf32, #tpu.memory_space<hbm>> -> memref<1000x32xf32, #tpu.memory_space<hbm>>
      %dma_start3A_54 = arith.constant 0 : i32
      %dma_start3A_55 = arith.constant 0 : i32
      %dma_start3A_56 = tpu.memref_slice %dma_start3A_53[%dma_start3A_54, %dma_start3A_55] : memref<1000x32xf32, #tpu.memory_space<hbm>> -> memref<1000x32xf32, #tpu.memory_space<hbm>>
      tpu.enqueue_indirect_dma source(%dma_start3A_56 : memref<1000x32xf32, #tpu.memory_space<hbm>>) target(%dma_start3A_46 : memref<128x32xf32, #tpu.memory_space<vmem>>) offsets(%dma_start3A_49 : memref<128xi32, #tpu.memory_space<vmem>>) semaphore(%arg31 : memref<!tpu.dma_semaphore, #tpu.memory_space<semaphore_mem>>)
      %dma_start3A_57 = arith.constant 0 : i32
      %dma_start3A_58 = arith.constant 0 : i32
      %dma_start3A_59 = arith.constant 0 : i32
      %dma_start3A_60 = arith.constant 0 : i32
      %dma_start3A_61 = tpu.memref_slice %arg24[%dma_start3A_58, %dma_start3A_59, %dma_start3A_60] : memref<4x128x32xf32, #tpu.memory_space<vmem>> -> memref<1x128x32xf32, #tpu.memory_space<vmem>>
      %dma_start3A_62 = tpu.memref_squeeze %dma_start3A_61 : memref<1x128x32xf32, #tpu.memory_space<vmem>> -> memref<128x32xf32, #tpu.memory_space<vmem>>
      %dma_start3A_63 = arith.constant 0 : i32
      %dma_start3A_64 = arith.constant 0 : i32
      %dma_start3A_65 = tpu.memref_slice %arg10[%dma_start3A_57, %dma_start3A_63, %dma_start3A_64] : memref<4x100000x32xf32, #tpu.memory_space<hbm>> -> memref<1x100000x32xf32, #tpu.memory_space<hbm>>
      %dma_start3A_66 = tpu.memref_squeeze %dma_start3A_65 : memref<1x100000x32xf32, #tpu.memory_space<hbm>> -> memref<100000x32xf32, #tpu.memory_space<hbm>>
      %dma_start3A_67 = arith.constant 0 : i32
      %dma_start3A_68 = arith.constant 0 : i32
      %dma_start3A_69 = tpu.memref_slice %dma_start3A_66[%dma_start3A_67, %dma_start3A_68] : memref<100000x32xf32, #tpu.memory_space<hbm>> -> memref<100000x32xf32, #tpu.memory_space<hbm>>
      tpu.enqueue_indirect_dma source(%dma_start3A_69 : memref<100000x32xf32, #tpu.memory_space<hbm>>) target(%dma_start3A_62 : memref<128x32xf32, #tpu.memory_space<vmem>>) offsets(%arg17 : memref<128xi32, #tpu.memory_space<vmem>>) semaphore(%arg31 : memref<!tpu.dma_semaphore, #tpu.memory_space<semaphore_mem>>)
      %dma_start3A_70 = arith.constant 1 : i32
      %dma_start3A_71 = arith.constant 1 : i32
      %dma_start3A_72 = arith.constant 1 : i32
      %dma_start3A_73 = arith.constant 0 : i32
      %dma_start3A_74 = arith.constant 0 : i32
      %dma_start3A_75 = tpu.memref_slice %arg23[%dma_start3A_72, %dma_start3A_73, %dma_start3A_74] : memref<4x128x32xf32, #tpu.memory_space<vmem>> -> memref<1x128x32xf32, #tpu.memory_space<vmem>>
      %dma_start3A_76 = tpu.memref_squeeze %dma_start3A_75 : memref<1x128x32xf32, #tpu.memory_space<vmem>> -> memref<128x32xf32, #tpu.memory_space<vmem>>
      %dma_start3A_77 = arith.constant 0 : i32
      %dma_start3A_78 = tpu.memref_slice %arg18[%dma_start3A_71, %dma_start3A_77] : memref<4x128xi32, #tpu.memory_space<vmem>> -> memref<1x128xi32, #tpu.memory_space<vmem>>
      %dma_start3A_79 = tpu.memref_squeeze %dma_start3A_78 : memref<1x128xi32, #tpu.memory_space<vmem>> -> memref<128xi32, #tpu.memory_space<vmem>>
      %dma_start3A_80 = arith.constant 0 : i32
      %dma_start3A_81 = arith.constant 0 : i32
      %dma_start3A_82 = tpu.memref_slice %arg9[%dma_start3A_70, %dma_start3A_80, %dma_start3A_81] : memref<4x1000x32xf32, #tpu.memory_space<hbm>> -> memref<1x1000x32xf32, #tpu.memory_space<hbm>>
      %dma_start3A_83 = tpu.memref_squeeze %dma_start3A_82 : memref<1x1000x32xf32, #tpu.memory_space<hbm>> -> memref<1000x32xf32, #tpu.memory_space<hbm>>
      %dma_start3A_84 = arith.constant 0 : i32
      %dma_start3A_85 = arith.constant 0 : i32
      %dma_start3A_86 = tpu.memref_slice %dma_start3A_83[%dma_start3A_84, %dma_start3A_85] : memref<1000x32xf32, #tpu.memory_space<hbm>> -> memref<1000x32xf32, #tpu.memory_space<hbm>>
      tpu.enqueue_indirect_dma source(%dma_start3A_86 : memref<1000x32xf32, #tpu.memory_space<hbm>>) target(%dma_start3A_76 : memref<128x32xf32, #tpu.memory_space<vmem>>) offsets(%dma_start3A_79 : memref<128xi32, #tpu.memory_space<vmem>>) semaphore(%arg31 : memref<!tpu.dma_semaphore, #tpu.memory_space<semaphore_mem>>)
      %dma_start3A_87 = arith.constant 1 : i32
      %dma_start3A_88 = arith.constant 1 : i32
      %dma_start3A_89 = arith.constant 0 : i32
      %dma_start3A_90 = arith.constant 0 : i32
      %dma_start3A_91 = tpu.memref_slice %arg24[%dma_start3A_88, %dma_start3A_89, %dma_start3A_90] : memref<4x128x32xf32, #tpu.memory_space<vmem>> -> memref<1x128x32xf32, #tpu.memory_space<vmem>>
      %dma_start3A_92 = tpu.memref_squeeze %dma_start3A_91 : memref<1x128x32xf32, #tpu.memory_space<vmem>> -> memref<128x32xf32, #tpu.memory_space<vmem>>
      %dma_start3A_93 = arith.constant 0 : i32
      %dma_start3A_94 = arith.constant 0 : i32
      %dma_start3A_95 = tpu.memref_slice %arg10[%dma_start3A_87, %dma_start3A_93, %dma_start3A_94] : memref<4x100000x32xf32, #tpu.memory_space<hbm>> -> memref<1x100000x32xf32, #tpu.memory_space<hbm>>
      %dma_start3A_96 = tpu.memref_squeeze %dma_start3A_95 : memref<1x100000x32xf32, #tpu.memory_space<hbm>> -> memref<100000x32xf32, #tpu.memory_space<hbm>>
      %dma_start3A_97 = arith.constant 0 : i32
      %dma_start3A_98 = arith.constant 0 : i32
      %dma_start3A_99 = tpu.memref_slice %dma_start3A_96[%dma_start3A_97, %dma_start3A_98] : memref<100000x32xf32, #tpu.memory_space<hbm>> -> memref<100000x32xf32, #tpu.memory_space<hbm>>
      tpu.enqueue_indirect_dma source(%dma_start3A_99 : memref<100000x32xf32, #tpu.memory_space<hbm>>) target(%dma_start3A_92 : memref<128x32xf32, #tpu.memory_space<vmem>>) offsets(%arg17 : memref<128xi32, #tpu.memory_space<vmem>>) semaphore(%arg31 : memref<!tpu.dma_semaphore, #tpu.memory_space<semaphore_mem>>)
      %dma_start3A_100 = arith.constant 2 : i32
      %dma_start3A_101 = arith.constant 2 : i32
      %dma_start3A_102 = arith.constant 2 : i32
      %dma_start3A_103 = arith.constant 0 : i32
      %dma_start3A_104 = arith.constant 0 : i32
      %dma_start3A_105 = tpu.memref_slice %arg23[%dma_start3A_102, %dma_start3A_103, %dma_start3A_104] : memref<4x128x32xf32, #tpu.memory_space<vmem>> -> memref<1x128x32xf32, #tpu.memory_space<vmem>>
      %dma_start3A_106 = tpu.memref_squeeze %dma_start3A_105 : memref<1x128x32xf32, #tpu.memory_space<vmem>> -> memref<128x32xf32, #tpu.memory_space<vmem>>
      %dma_start3A_107 = arith.constant 0 : i32
      %dma_start3A_108 = tpu.memref_slice %arg18[%dma_start3A_101, %dma_start3A_107] : memref<4x128xi32, #tpu.memory_space<vmem>> -> memref<1x128xi32, #tpu.memory_space<vmem>>
      %dma_start3A_109 = tpu.memref_squeeze %dma_start3A_108 : memref<1x128xi32, #tpu.memory_space<vmem>> -> memref<128xi32, #tpu.memory_space<vmem>>
      %dma_start3A_110 = arith.constant 0 : i32
      %dma_start3A_111 = arith.constant 0 : i32
      %dma_start3A_112 = tpu.memref_slice %arg9[%dma_start3A_100, %dma_start3A_110, %dma_start3A_111] : memref<4x1000x32xf32, #tpu.memory_space<hbm>> -> memref<1x1000x32xf32, #tpu.memory_space<hbm>>
      %dma_start3A_113 = tpu.memref_squeeze %dma_start3A_112 : memref<1x1000x32xf32, #tpu.memory_space<hbm>> -> memref<1000x32xf32, #tpu.memory_space<hbm>>
      %dma_start3A_114 = arith.constant 0 : i32
      %dma_start3A_115 = arith.constant 0 : i32
      %dma_start3A_116 = tpu.memref_slice %dma_start3A_113[%dma_start3A_114, %dma_start3A_115] : memref<1000x32xf32, #tpu.memory_space<hbm>> -> memref<1000x32xf32, #tpu.memory_space<hbm>>
      tpu.enqueue_indirect_dma source(%dma_start3A_116 : memref<1000x32xf32, #tpu.memory_space<hbm>>) target(%dma_start3A_106 : memref<128x32xf32, #tpu.memory_space<vmem>>) offsets(%dma_start3A_109 : memref<128xi32, #tpu.memory_space<vmem>>) semaphore(%arg31 : memref<!tpu.dma_semaphore, #tpu.memory_space<semaphore_mem>>)
      %dma_start3A_117 = arith.constant 2 : i32
      %dma_start3A_118 = arith.constant 2 : i32
      %dma_start3A_119 = arith.constant 0 : i32
      %dma_start3A_120 = arith.constant 0 : i32
      %dma_start3A_121 = tpu.memref_slice %arg24[%dma_start3A_118, %dma_start3A_119, %dma_start3A_120] : memref<4x128x32xf32, #tpu.memory_space<vmem>> -> memref<1x128x32xf32, #tpu.memory_space<vmem>>
      %dma_start3A_122 = tpu.memref_squeeze %dma_start3A_121 : memref<1x128x32xf32, #tpu.memory_space<vmem>> -> memref<128x32xf32, #tpu.memory_space<vmem>>
      %dma_start3A_123 = arith.constant 0 : i32
      %dma_start3A_124 = arith.constant 0 : i32
      %dma_start3A_125 = tpu.memref_slice %arg10[%dma_start3A_117, %dma_start3A_123, %dma_start3A_124] : memref<4x100000x32xf32, #tpu.memory_space<hbm>> -> memref<1x100000x32xf32, #tpu.memory_space<hbm>>
      %dma_start3A_126 = tpu.memref_squeeze %dma_start3A_125 : memref<1x100000x32xf32, #tpu.memory_space<hbm>> -> memref<100000x32xf32, #tpu.memory_space<hbm>>
      %dma_start3A_127 = arith.constant 0 : i32
      %dma_start3A_128 = arith.constant 0 : i32
      %dma_start3A_129 = tpu.memref_slice %dma_start3A_126[%dma_start3A_127, %dma_start3A_128] : memref<100000x32xf32, #tpu.memory_space<hbm>> -> memref<100000x32xf32, #tpu.memory_space<hbm>>
      tpu.enqueue_indirect_dma source(%dma_start3A_129 : memref<100000x32xf32, #tpu.memory_space<hbm>>) target(%dma_start3A_122 : memref<128x32xf32, #tpu.memory_space<vmem>>) offsets(%arg17 : memref<128xi32, #tpu.memory_space<vmem>>) semaphore(%arg31 : memref<!tpu.dma_semaphore, #tpu.memory_space<semaphore_mem>>)
      %dma_start3A_130 = arith.constant 3 : i32
      %dma_start3A_131 = arith.constant 3 : i32
      %dma_start3A_132 = arith.constant 3 : i32
      %dma_start3A_133 = arith.constant 0 : i32
      %dma_start3A_134 = arith.constant 0 : i32
      %dma_start3A_135 = tpu.memref_slice %arg23[%dma_start3A_132, %dma_start3A_133, %dma_start3A_134] : memref<4x128x32xf32, #tpu.memory_space<vmem>> -> memref<1x128x32xf32, #tpu.memory_space<vmem>>
      %dma_start3A_136 = tpu.memref_squeeze %dma_start3A_135 : memref<1x128x32xf32, #tpu.memory_space<vmem>> -> memref<128x32xf32, #tpu.memory_space<vmem>>
      %dma_start3A_137 = arith.constant 0 : i32
      %dma_start3A_138 = tpu.memref_slice %arg18[%dma_start3A_131, %dma_start3A_137] : memref<4x128xi32, #tpu.memory_space<vmem>> -> memref<1x128xi32, #tpu.memory_space<vmem>>
      %dma_start3A_139 = tpu.memref_squeeze %dma_start3A_138 : memref<1x128xi32, #tpu.memory_space<vmem>> -> memref<128xi32, #tpu.memory_space<vmem>>
      %dma_start3A_140 = arith.constant 0 : i32
      %dma_start3A_141 = arith.constant 0 : i32
      %dma_start3A_142 = tpu.memref_slice %arg9[%dma_start3A_130, %dma_start3A_140, %dma_start3A_141] : memref<4x1000x32xf32, #tpu.memory_space<hbm>> -> memref<1x1000x32xf32, #tpu.memory_space<hbm>>
      %dma_start3A_143 = tpu.memref_squeeze %dma_start3A_142 : memref<1x1000x32xf32, #tpu.memory_space<hbm>> -> memref<1000x32xf32, #tpu.memory_space<hbm>>
      %dma_start3A_144 = arith.constant 0 : i32
      %dma_start3A_145 = arith.constant 0 : i32
      %dma_start3A_146 = tpu.memref_slice %dma_start3A_143[%dma_start3A_144, %dma_start3A_145] : memref<1000x32xf32, #tpu.memory_space<hbm>> -> memref<1000x32xf32, #tpu.memory_space<hbm>>
      tpu.enqueue_indirect_dma source(%dma_start3A_146 : memref<1000x32xf32, #tpu.memory_space<hbm>>) target(%dma_start3A_136 : memref<128x32xf32, #tpu.memory_space<vmem>>) offsets(%dma_start3A_139 : memref<128xi32, #tpu.memory_space<vmem>>) semaphore(%arg31 : memref<!tpu.dma_semaphore, #tpu.memory_space<semaphore_mem>>)
      %dma_start3A_147 = arith.constant 3 : i32
      %dma_start3A_148 = arith.constant 3 : i32
      %dma_start3A_149 = arith.constant 0 : i32
      %dma_start3A_150 = arith.constant 0 : i32
      %dma_start3A_151 = tpu.memref_slice %arg24[%dma_start3A_148, %dma_start3A_149, %dma_start3A_150] : memref<4x128x32xf32, #tpu.memory_space<vmem>> -> memref<1x128x32xf32, #tpu.memory_space<vmem>>
      %dma_start3A_152 = tpu.memref_squeeze %dma_start3A_151 : memref<1x128x32xf32, #tpu.memory_space<vmem>> -> memref<128x32xf32, #tpu.memory_space<vmem>>
      %dma_start3A_153 = arith.constant 0 : i32
      %dma_start3A_154 = arith.constant 0 : i32
      %dma_start3A_155 = tpu.memref_slice %arg10[%dma_start3A_147, %dma_start3A_153, %dma_start3A_154] : memref<4x100000x32xf32, #tpu.memory_space<hbm>> -> memref<1x100000x32xf32, #tpu.memory_space<hbm>>
      %dma_start3A_156 = tpu.memref_squeeze %dma_start3A_155 : memref<1x100000x32xf32, #tpu.memory_space<hbm>> -> memref<100000x32xf32, #tpu.memory_space<hbm>>
      %dma_start3A_157 = arith.constant 0 : i32
      %dma_start3A_158 = arith.constant 0 : i32
      %dma_start3A_159 = tpu.memref_slice %dma_start3A_156[%dma_start3A_157, %dma_start3A_158] : memref<100000x32xf32, #tpu.memory_space<hbm>> -> memref<100000x32xf32, #tpu.memory_space<hbm>>
      tpu.enqueue_indirect_dma source(%dma_start3A_159 : memref<100000x32xf32, #tpu.memory_space<hbm>>) target(%dma_start3A_152 : memref<128x32xf32, #tpu.memory_space<vmem>>) offsets(%arg17 : memref<128xi32, #tpu.memory_space<vmem>>) semaphore(%arg31 : memref<!tpu.dma_semaphore, #tpu.memory_space<semaphore_mem>>)
      %dma_wait3A = arith.constant 0 : i32
      %dma_wait3A_160 = arith.constant 0 : i32
      %dma_wait3A_161 = tpu.memref_slice %arg5[%dma_wait3A, %dma_wait3A_160] : memref<100000x64xf32, #tpu.memory_space<hbm>> -> memref<100000x64xf32, #tpu.memory_space<hbm>>
      tpu.wait_indirect_dma semaphore(%arg30 : memref<!tpu.dma_semaphore, #tpu.memory_space<semaphore_mem>>) src(%dma_wait3A_161 : memref<100000x64xf32, #tpu.memory_space<hbm>>) dst(%arg19 : memref<128x64xf32, #tpu.memory_space<vmem>>)
      %dma_wait3A_162 = arith.constant 0 : i32
      %dma_wait3A_163 = arith.constant 0 : i32
      %dma_wait3A_164 = tpu.memref_slice %arg12[%dma_wait3A_162, %dma_wait3A_163] : memref<100000x64xf32, #tpu.memory_space<hbm>> -> memref<100000x64xf32, #tpu.memory_space<hbm>>
      tpu.wait_indirect_dma semaphore(%arg30 : memref<!tpu.dma_semaphore, #tpu.memory_space<semaphore_mem>>) src(%dma_wait3A_164 : memref<100000x64xf32, #tpu.memory_space<hbm>>) dst(%arg20 : memref<128x64xf32, #tpu.memory_space<vmem>>)
      %dma_wait3A_165 = arith.constant 0 : i32
      %dma_wait3A_166 = arith.constant 0 : i32
      %dma_wait3A_167 = tpu.memref_slice %arg7[%dma_wait3A_165, %dma_wait3A_166] : memref<100000x64xf32, #tpu.memory_space<hbm>> -> memref<100000x64xf32, #tpu.memory_space<hbm>>
      tpu.wait_indirect_dma semaphore(%arg30 : memref<!tpu.dma_semaphore, #tpu.memory_space<semaphore_mem>>) src(%dma_wait3A_167 : memref<100000x64xf32, #tpu.memory_space<hbm>>) dst(%arg21 : memref<128x64xf32, #tpu.memory_space<vmem>>)
      %dma_wait3A_168 = arith.constant 0 : i32
      %dma_wait3A_169 = arith.constant 0 : i32
      %dma_wait3A_170 = tpu.memref_slice %arg13[%dma_wait3A_168, %dma_wait3A_169] : memref<100000x64xf32, #tpu.memory_space<hbm>> -> memref<100000x64xf32, #tpu.memory_space<hbm>>
      tpu.wait_indirect_dma semaphore(%arg30 : memref<!tpu.dma_semaphore, #tpu.memory_space<semaphore_mem>>) src(%dma_wait3A_170 : memref<100000x64xf32, #tpu.memory_space<hbm>>) dst(%arg22 : memref<128x64xf32, #tpu.memory_space<vmem>>)
      %mul3A_171 = arith.constant 128 : i32
      %mul3A_172 = arith.muli %scan3A_9, %mul3A_171 : i32
      %add3A_173 = arith.addi %mul3A_2, %mul3A_172 : i32
      %scan3A_174 = arith.constant 0 : i32
      %scan3A_175 = arith.constant 0 : i32
      %scan3A_176 = arith.constant 128 : i32
      %scan3A_177 = arith.addi %scan3A_175, %scan3A_176 : i32
      %scan3A_178 = arith.constant 1 : i32
      %scan3A_179 = scf.for %scan3A_322 = %scan3A_175 to %scan3A_177 step %scan3A_178 iter_args(%scan3A_323 = %scan3A_174) -> (i32)  : i32 {
        %get3A = arith.index_cast %scan3A_322 : i32 to index
        %get3A_324 = arith.constant 0 : index
        %get3A_325 = tpu.vector_load %arg19[%get3A, %get3A_324] {strides = array<i32>} : memref<128x64xf32, #tpu.memory_space<vmem>>, vector<1x16xf32>,
        %get3A_326 = vector.shape_cast %get3A_325 : vector<1x16xf32> to vector<16xf32>
        %get3A_327 = arith.index_cast %scan3A_322 : i32 to index
        %get3A_328 = arith.constant 0 : index
        %get3A_329 = tpu.vector_load %arg21[%get3A_327, %get3A_328] {strides = array<i32>} : memref<128x64xf32, #tpu.memory_space<vmem>>, vector<1x16xf32>,
        %get3A_330 = vector.shape_cast %get3A_329 : vector<1x16xf32> to vector<16xf32>
        %mul3A_331 = arith.mulf %get3A_326, %get3A_330 : vector<16xf32>
        %get3A_332 = arith.index_cast %scan3A_322 : i32 to index
        %get3A_333 = arith.constant 16 : index
        %get3A_334 = tpu.vector_load %arg19[%get3A_332, %get3A_333] {strides = array<i32>} : memref<128x64xf32, #tpu.memory_space<vmem>>, vector<1x16xf32>,
        %get3A_335 = vector.shape_cast %get3A_334 : vector<1x16xf32> to vector<16xf32>
        %get3A_336 = arith.index_cast %scan3A_322 : i32 to index
        %get3A_337 = arith.constant 16 : index
        %get3A_338 = tpu.vector_load %arg21[%get3A_336, %get3A_337] {strides = array<i32>} : memref<128x64xf32, #tpu.memory_space<vmem>>, vector<1x16xf32>,
        %get3A_339 = vector.shape_cast %get3A_338 : vector<1x16xf32> to vector<16xf32>
        %mul3A_340 = arith.mulf %get3A_335, %get3A_339 : vector<16xf32>
        %add3A_341 = arith.addf %mul3A_331, %mul3A_340 : vector<16xf32>
        %get3A_342 = arith.index_cast %scan3A_322 : i32 to index
        %get3A_343 = arith.constant 32 : index
        %get3A_344 = tpu.vector_load %arg19[%get3A_342, %get3A_343] {strides = array<i32>} : memref<128x64xf32, #tpu.memory_space<vmem>>, vector<1x16xf32>,
        %get3A_345 = vector.shape_cast %get3A_344 : vector<1x16xf32> to vector<16xf32>
        %get3A_346 = arith.index_cast %scan3A_322 : i32 to index
        %get3A_347 = arith.constant 32 : index
        %get3A_348 = tpu.vector_load %arg21[%get3A_346, %get3A_347] {strides = array<i32>} : memref<128x64xf32, #tpu.memory_space<vmem>>, vector<1x16xf32>,
        %get3A_349 = vector.shape_cast %get3A_348 : vector<1x16xf32> to vector<16xf32>
        %mul3A_350 = arith.mulf %get3A_345, %get3A_349 : vector<16xf32>
        %add3A_351 = arith.addf %add3A_341, %mul3A_350 : vector<16xf32>
        %get3A_352 = arith.index_cast %scan3A_322 : i32 to index
        %get3A_353 = arith.constant 48 : index
        %get3A_354 = tpu.vector_load %arg19[%get3A_352, %get3A_353] {strides = array<i32>} : memref<128x64xf32, #tpu.memory_space<vmem>>, vector<1x16xf32>,
        %get3A_355 = vector.shape_cast %get3A_354 : vector<1x16xf32> to vector<16xf32>
        %get3A_356 = arith.index_cast %scan3A_322 : i32 to index
        %get3A_357 = arith.constant 48 : index
        %get3A_358 = tpu.vector_load %arg21[%get3A_356, %get3A_357] {strides = array<i32>} : memref<128x64xf32, #tpu.memory_space<vmem>>, vector<1x16xf32>,
        %get3A_359 = vector.shape_cast %get3A_358 : vector<1x16xf32> to vector<16xf32>
        %mul3A_360 = arith.mulf %get3A_355, %get3A_359 : vector<16xf32>
        %add3A_361 = arith.addf %add3A_351, %mul3A_360 : vector<16xf32>
        %get3A_362 = arith.index_cast %scan3A_322 : i32 to index
        %get3A_363 = arith.constant 0 : index
        %get3A_364 = tpu.vector_load %arg20[%get3A_362, %get3A_363] {strides = array<i32>} : memref<128x64xf32, #tpu.memory_space<vmem>>, vector<1x16xf32>,
        %get3A_365 = vector.shape_cast %get3A_364 : vector<1x16xf32> to vector<16xf32>
        %get3A_366 = arith.index_cast %scan3A_322 : i32 to index
        %get3A_367 = arith.constant 0 : index
        %get3A_368 = tpu.vector_load %arg22[%get3A_366, %get3A_367] {strides = array<i32>} : memref<128x64xf32, #tpu.memory_space<vmem>>, vector<1x16xf32>,
        %get3A_369 = vector.shape_cast %get3A_368 : vector<1x16xf32> to vector<16xf32>
        %mul3A_370 = arith.mulf %get3A_365, %get3A_369 : vector<16xf32>
        %add3A_371 = arith.addf %add3A_361, %mul3A_370 : vector<16xf32>
        %get3A_372 = arith.index_cast %scan3A_322 : i32 to index
        %get3A_373 = arith.constant 16 : index
        %get3A_374 = tpu.vector_load %arg20[%get3A_372, %get3A_373] {strides = array<i32>} : memref<128x64xf32, #tpu.memory_space<vmem>>, vector<1x16xf32>,
        %get3A_375 = vector.shape_cast %get3A_374 : vector<1x16xf32> to vector<16xf32>
        %get3A_376 = arith.index_cast %scan3A_322 : i32 to index
        %get3A_377 = arith.constant 16 : index
        %get3A_378 = tpu.vector_load %arg22[%get3A_376, %get3A_377] {strides = array<i32>} : memref<128x64xf32, #tpu.memory_space<vmem>>, vector<1x16xf32>,
        %get3A_379 = vector.shape_cast %get3A_378 : vector<1x16xf32> to vector<16xf32>
        %mul3A_380 = arith.mulf %get3A_375, %get3A_379 : vector<16xf32>
        %add3A_381 = arith.addf %add3A_371, %mul3A_380 : vector<16xf32>
        %get3A_382 = arith.index_cast %scan3A_322 : i32 to index
        %get3A_383 = arith.constant 32 : index
        %get3A_384 = tpu.vector_load %arg20[%get3A_382, %get3A_383] {strides = array<i32>} : memref<128x64xf32, #tpu.memory_space<vmem>>, vector<1x16xf32>,
        %get3A_385 = vector.shape_cast %get3A_384 : vector<1x16xf32> to vector<16xf32>
        %get3A_386 = arith.index_cast %scan3A_322 : i32 to index
        %get3A_387 = arith.constant 32 : index
        %get3A_388 = tpu.vector_load %arg22[%get3A_386, %get3A_387] {strides = array<i32>} : memref<128x64xf32, #tpu.memory_space<vmem>>, vector<1x16xf32>,
        %get3A_389 = vector.shape_cast %get3A_388 : vector<1x16xf32> to vector<16xf32>
        %mul3A_390 = arith.mulf %get3A_385, %get3A_389 : vector<16xf32>
        %add3A_391 = arith.addf %add3A_381, %mul3A_390 : vector<16xf32>
        %get3A_392 = arith.index_cast %scan3A_322 : i32 to index
        %get3A_393 = arith.constant 48 : index
        %get3A_394 = tpu.vector_load %arg20[%get3A_392, %get3A_393] {strides = array<i32>} : memref<128x64xf32, #tpu.memory_space<vmem>>, vector<1x16xf32>,
        %get3A_395 = vector.shape_cast %get3A_394 : vector<1x16xf32> to vector<16xf32>
        %get3A_396 = arith.index_cast %scan3A_322 : i32 to index
        %get3A_397 = arith.constant 48 : index
        %get3A_398 = tpu.vector_load %arg22[%get3A_396, %get3A_397] {strides = array<i32>} : memref<128x64xf32, #tpu.memory_space<vmem>>, vector<1x16xf32>,
        %get3A_399 = vector.shape_cast %get3A_398 : vector<1x16xf32> to vector<16xf32>
        %mul3A_400 = arith.mulf %get3A_395, %get3A_399 : vector<16xf32>
        %add3A_401 = arith.addf %add3A_391, %mul3A_400 : vector<16xf32>
        %mul3A_402 = arith.constant 16 : i32
        %mul3A_403 = arith.muli %scan3A_322, %mul3A_402 : i32
        %swap3A = arith.index_cast %mul3A_403 : i32 to index
        %swap3A_404 = tpu.vector_load %arg28[%swap3A] {strides = array<i32>} : memref<2048xf32, #tpu.memory_space<vmem>>, vector<16xf32>,
        %swap3A_405 = vector.shape_cast %swap3A_404 : vector<16xf32> to vector<16xf32>
        %swap3A_406 = vector.shape_cast %add3A_401 : vector<16xf32> to vector<16xf32>
        tpu.vector_store %arg28[%swap3A], %swap3A_406 {strides = array<i32>} : memref<2048xf32, #tpu.memory_space<vmem>>, vector<16xf32>,
        %scan3A_407 = arith.constant 0 : i32
        scf.yield %scan3A_407 : i32
      }
      %scan3A_180 = arith.constant 128 : i32
      %dma_wait3A_181 = arith.constant 0 : i32
      %dma_wait3A_182 = tpu.memref_slice %arg6[%dma_wait3A_181] : memref<100000xf32, #tpu.memory_space<hbm>> -> memref<100000xf32, #tpu.memory_space<hbm>>
      tpu.wait_indirect_dma semaphore(%arg31 : memref<!tpu.dma_semaphore, #tpu.memory_space<semaphore_mem>>) src(%dma_wait3A_182 : memref<100000xf32, #tpu.memory_space<hbm>>) dst(%arg25 : memref<128xf32, #tpu.memory_space<vmem>>)
      %dma_wait3A_183 = arith.constant 0 : i32
      %dma_wait3A_184 = tpu.memref_slice %arg8[%dma_wait3A_183] : memref<100000xf32, #tpu.memory_space<hbm>> -> memref<100000xf32, #tpu.memory_space<hbm>>
      tpu.wait_indirect_dma semaphore(%arg31 : memref<!tpu.dma_semaphore, #tpu.memory_space<semaphore_mem>>) src(%dma_wait3A_184 : memref<100000xf32, #tpu.memory_space<hbm>>) dst(%arg26 : memref<128xf32, #tpu.memory_space<vmem>>)
      %dma_wait3A_185 = arith.constant 0 : i32
      %dma_wait3A_186 = arith.constant 0 : i32
      %dma_wait3A_187 = arith.constant 0 : i32
      %dma_wait3A_188 = arith.constant 0 : i32
      %dma_wait3A_189 = arith.constant 0 : i32
      %dma_wait3A_190 = tpu.memref_slice %arg23[%dma_wait3A_187, %dma_wait3A_188, %dma_wait3A_189] : memref<4x128x32xf32, #tpu.memory_space<vmem>> -> memref<1x128x32xf32, #tpu.memory_space<vmem>>
      %dma_wait3A_191 = tpu.memref_squeeze %dma_wait3A_190 : memref<1x128x32xf32, #tpu.memory_space<vmem>> -> memref<128x32xf32, #tpu.memory_space<vmem>>
      %dma_wait3A_192 = arith.constant 0 : i32
      %dma_wait3A_193 = tpu.memref_slice %arg18[%dma_wait3A_186, %dma_wait3A_192] : memref<4x128xi32, #tpu.memory_space<vmem>> -> memref<1x128xi32, #tpu.memory_space<vmem>>
      %dma_wait3A_194 = tpu.memref_squeeze %dma_wait3A_193 : memref<1x128xi32, #tpu.memory_space<vmem>> -> memref<128xi32, #tpu.memory_space<vmem>>
      %dma_wait3A_195 = arith.constant 0 : i32
      %dma_wait3A_196 = arith.constant 0 : i32
      %dma_wait3A_197 = tpu.memref_slice %arg9[%dma_wait3A_185, %dma_wait3A_195, %dma_wait3A_196] : memref<4x1000x32xf32, #tpu.memory_space<hbm>> -> memref<1x1000x32xf32, #tpu.memory_space<hbm>>
      %dma_wait3A_198 = tpu.memref_squeeze %dma_wait3A_197 : memref<1x1000x32xf32, #tpu.memory_space<hbm>> -> memref<1000x32xf32, #tpu.memory_space<hbm>>
      %dma_wait3A_199 = arith.constant 0 : i32
      %dma_wait3A_200 = arith.constant 0 : i32
      %dma_wait3A_201 = tpu.memref_slice %dma_wait3A_198[%dma_wait3A_199, %dma_wait3A_200] : memref<1000x32xf32, #tpu.memory_space<hbm>> -> memref<1000x32xf32, #tpu.memory_space<hbm>>
      tpu.wait_indirect_dma semaphore(%arg31 : memref<!tpu.dma_semaphore, #tpu.memory_space<semaphore_mem>>) src(%dma_wait3A_201 : memref<1000x32xf32, #tpu.memory_space<hbm>>) dst(%dma_wait3A_191 : memref<128x32xf32, #tpu.memory_space<vmem>>)
      %dma_wait3A_202 = arith.constant 0 : i32
      %dma_wait3A_203 = arith.constant 0 : i32
      %dma_wait3A_204 = arith.constant 0 : i32
      %dma_wait3A_205 = arith.constant 0 : i32
      %dma_wait3A_206 = tpu.memref_slice %arg24[%dma_wait3A_203, %dma_wait3A_204, %dma_wait3A_205] : memref<4x128x32xf32, #tpu.memory_space<vmem>> -> memref<1x128x32xf32, #tpu.memory_space<vmem>>
      %dma_wait3A_207 = tpu.memref_squeeze %dma_wait3A_206 : memref<1x128x32xf32, #tpu.memory_space<vmem>> -> memref<128x32xf32, #tpu.memory_space<vmem>>
      %dma_wait3A_208 = arith.constant 0 : i32
      %dma_wait3A_209 = arith.constant 0 : i32
      %dma_wait3A_210 = tpu.memref_slice %arg10[%dma_wait3A_202, %dma_wait3A_208, %dma_wait3A_209] : memref<4x100000x32xf32, #tpu.memory_space<hbm>> -> memref<1x100000x32xf32, #tpu.memory_space<hbm>>
      %dma_wait3A_211 = tpu.memref_squeeze %dma_wait3A_210 : memref<1x100000x32xf32, #tpu.memory_space<hbm>> -> memref<100000x32xf32, #tpu.memory_space<hbm>>
      %dma_wait3A_212 = arith.constant 0 : i32
      %dma_wait3A_213 = arith.constant 0 : i32
      %dma_wait3A_214 = tpu.memref_slice %dma_wait3A_211[%dma_wait3A_212, %dma_wait3A_213] : memref<100000x32xf32, #tpu.memory_space<hbm>> -> memref<100000x32xf32, #tpu.memory_space<hbm>>
      tpu.wait_indirect_dma semaphore(%arg31 : memref<!tpu.dma_semaphore, #tpu.memory_space<semaphore_mem>>) src(%dma_wait3A_214 : memref<100000x32xf32, #tpu.memory_space<hbm>>) dst(%dma_wait3A_207 : memref<128x32xf32, #tpu.memory_space<vmem>>)
      %dma_wait3A_215 = arith.constant 1 : i32
      %dma_wait3A_216 = arith.constant 1 : i32
      %dma_wait3A_217 = arith.constant 1 : i32
      %dma_wait3A_218 = arith.constant 0 : i32
      %dma_wait3A_219 = arith.constant 0 : i32
      %dma_wait3A_220 = tpu.memref_slice %arg23[%dma_wait3A_217, %dma_wait3A_218, %dma_wait3A_219] : memref<4x128x32xf32, #tpu.memory_space<vmem>> -> memref<1x128x32xf32, #tpu.memory_space<vmem>>
      %dma_wait3A_221 = tpu.memref_squeeze %dma_wait3A_220 : memref<1x128x32xf32, #tpu.memory_space<vmem>> -> memref<128x32xf32, #tpu.memory_space<vmem>>
      %dma_wait3A_222 = arith.constant 0 : i32
      %dma_wait3A_223 = tpu.memref_slice %arg18[%dma_wait3A_216, %dma_wait3A_222] : memref<4x128xi32, #tpu.memory_space<vmem>> -> memref<1x128xi32, #tpu.memory_space<vmem>>
      %dma_wait3A_224 = tpu.memref_squeeze %dma_wait3A_223 : memref<1x128xi32, #tpu.memory_space<vmem>> -> memref<128xi32, #tpu.memory_space<vmem>>
      %dma_wait3A_225 = arith.constant 0 : i32
      %dma_wait3A_226 = arith.constant 0 : i32
      %dma_wait3A_227 = tpu.memref_slice %arg9[%dma_wait3A_215, %dma_wait3A_225, %dma_wait3A_226] : memref<4x1000x32xf32, #tpu.memory_space<hbm>> -> memref<1x1000x32xf32, #tpu.memory_space<hbm>>
      %dma_wait3A_228 = tpu.memref_squeeze %dma_wait3A_227 : memref<1x1000x32xf32, #tpu.memory_space<hbm>> -> memref<1000x32xf32, #tpu.memory_space<hbm>>
      %dma_wait3A_229 = arith.constant 0 : i32
      %dma_wait3A_230 = arith.constant 0 : i32
      %dma_wait3A_231 = tpu.memref_slice %dma_wait3A_228[%dma_wait3A_229, %dma_wait3A_230] : memref<1000x32xf32, #tpu.memory_space<hbm>> -> memref<1000x32xf32, #tpu.memory_space<hbm>>
      tpu.wait_indirect_dma semaphore(%arg31 : memref<!tpu.dma_semaphore, #tpu.memory_space<semaphore_mem>>) src(%dma_wait3A_231 : memref<1000x32xf32, #tpu.memory_space<hbm>>) dst(%dma_wait3A_221 : memref<128x32xf32, #tpu.memory_space<vmem>>)
      %dma_wait3A_232 = arith.constant 1 : i32
      %dma_wait3A_233 = arith.constant 1 : i32
      %dma_wait3A_234 = arith.constant 0 : i32
      %dma_wait3A_235 = arith.constant 0 : i32
      %dma_wait3A_236 = tpu.memref_slice %arg24[%dma_wait3A_233, %dma_wait3A_234, %dma_wait3A_235] : memref<4x128x32xf32, #tpu.memory_space<vmem>> -> memref<1x128x32xf32, #tpu.memory_space<vmem>>
      %dma_wait3A_237 = tpu.memref_squeeze %dma_wait3A_236 : memref<1x128x32xf32, #tpu.memory_space<vmem>> -> memref<128x32xf32, #tpu.memory_space<vmem>>
      %dma_wait3A_238 = arith.constant 0 : i32
      %dma_wait3A_239 = arith.constant 0 : i32
      %dma_wait3A_240 = tpu.memref_slice %arg10[%dma_wait3A_232, %dma_wait3A_238, %dma_wait3A_239] : memref<4x100000x32xf32, #tpu.memory_space<hbm>> -> memref<1x100000x32xf32, #tpu.memory_space<hbm>>
      %dma_wait3A_241 = tpu.memref_squeeze %dma_wait3A_240 : memref<1x100000x32xf32, #tpu.memory_space<hbm>> -> memref<100000x32xf32, #tpu.memory_space<hbm>>
      %dma_wait3A_242 = arith.constant 0 : i32
      %dma_wait3A_243 = arith.constant 0 : i32
      %dma_wait3A_244 = tpu.memref_slice %dma_wait3A_241[%dma_wait3A_242, %dma_wait3A_243] : memref<100000x32xf32, #tpu.memory_space<hbm>> -> memref<100000x32xf32, #tpu.memory_space<hbm>>
      tpu.wait_indirect_dma semaphore(%arg31 : memref<!tpu.dma_semaphore, #tpu.memory_space<semaphore_mem>>) src(%dma_wait3A_244 : memref<100000x32xf32, #tpu.memory_space<hbm>>) dst(%dma_wait3A_237 : memref<128x32xf32, #tpu.memory_space<vmem>>)
      %dma_wait3A_245 = arith.constant 2 : i32
      %dma_wait3A_246 = arith.constant 2 : i32
      %dma_wait3A_247 = arith.constant 2 : i32
      %dma_wait3A_248 = arith.constant 0 : i32
      %dma_wait3A_249 = arith.constant 0 : i32
      %dma_wait3A_250 = tpu.memref_slice %arg23[%dma_wait3A_247, %dma_wait3A_248, %dma_wait3A_249] : memref<4x128x32xf32, #tpu.memory_space<vmem>> -> memref<1x128x32xf32, #tpu.memory_space<vmem>>
      %dma_wait3A_251 = tpu.memref_squeeze %dma_wait3A_250 : memref<1x128x32xf32, #tpu.memory_space<vmem>> -> memref<128x32xf32, #tpu.memory_space<vmem>>
      %dma_wait3A_252 = arith.constant 0 : i32
      %dma_wait3A_253 = tpu.memref_slice %arg18[%dma_wait3A_246, %dma_wait3A_252] : memref<4x128xi32, #tpu.memory_space<vmem>> -> memref<1x128xi32, #tpu.memory_space<vmem>>
      %dma_wait3A_254 = tpu.memref_squeeze %dma_wait3A_253 : memref<1x128xi32, #tpu.memory_space<vmem>> -> memref<128xi32, #tpu.memory_space<vmem>>
      %dma_wait3A_255 = arith.constant 0 : i32
      %dma_wait3A_256 = arith.constant 0 : i32
      %dma_wait3A_257 = tpu.memref_slice %arg9[%dma_wait3A_245, %dma_wait3A_255, %dma_wait3A_256] : memref<4x1000x32xf32, #tpu.memory_space<hbm>> -> memref<1x1000x32xf32, #tpu.memory_space<hbm>>
      %dma_wait3A_258 = tpu.memref_squeeze %dma_wait3A_257 : memref<1x1000x32xf32, #tpu.memory_space<hbm>> -> memref<1000x32xf32, #tpu.memory_space<hbm>>
      %dma_wait3A_259 = arith.constant 0 : i32
      %dma_wait3A_260 = arith.constant 0 : i32
      %dma_wait3A_261 = tpu.memref_slice %dma_wait3A_258[%dma_wait3A_259, %dma_wait3A_260] : memref<1000x32xf32, #tpu.memory_space<hbm>> -> memref<1000x32xf32, #tpu.memory_space<hbm>>
      tpu.wait_indirect_dma semaphore(%arg31 : memref<!tpu.dma_semaphore, #tpu.memory_space<semaphore_mem>>) src(%dma_wait3A_261 : memref<1000x32xf32, #tpu.memory_space<hbm>>) dst(%dma_wait3A_251 : memref<128x32xf32, #tpu.memory_space<vmem>>)
      %dma_wait3A_262 = arith.constant 2 : i32
      %dma_wait3A_263 = arith.constant 2 : i32
      %dma_wait3A_264 = arith.constant 0 : i32
      %dma_wait3A_265 = arith.constant 0 : i32
      %dma_wait3A_266 = tpu.memref_slice %arg24[%dma_wait3A_263, %dma_wait3A_264, %dma_wait3A_265] : memref<4x128x32xf32, #tpu.memory_space<vmem>> -> memref<1x128x32xf32, #tpu.memory_space<vmem>>
      %dma_wait3A_267 = tpu.memref_squeeze %dma_wait3A_266 : memref<1x128x32xf32, #tpu.memory_space<vmem>> -> memref<128x32xf32, #tpu.memory_space<vmem>>
      %dma_wait3A_268 = arith.constant 0 : i32
      %dma_wait3A_269 = arith.constant 0 : i32
      %dma_wait3A_270 = tpu.memref_slice %arg10[%dma_wait3A_262, %dma_wait3A_268, %dma_wait3A_269] : memref<4x100000x32xf32, #tpu.memory_space<hbm>> -> memref<1x100000x32xf32, #tpu.memory_space<hbm>>
      %dma_wait3A_271 = tpu.memref_squeeze %dma_wait3A_270 : memref<1x100000x32xf32, #tpu.memory_space<hbm>> -> memref<100000x32xf32, #tpu.memory_space<hbm>>
      %dma_wait3A_272 = arith.constant 0 : i32
      %dma_wait3A_273 = arith.constant 0 : i32
      %dma_wait3A_274 = tpu.memref_slice %dma_wait3A_271[%dma_wait3A_272, %dma_wait3A_273] : memref<100000x32xf32, #tpu.memory_space<hbm>> -> memref<100000x32xf32, #tpu.memory_space<hbm>>
      tpu.wait_indirect_dma semaphore(%arg31 : memref<!tpu.dma_semaphore, #tpu.memory_space<semaphore_mem>>) src(%dma_wait3A_274 : memref<100000x32xf32, #tpu.memory_space<hbm>>) dst(%dma_wait3A_267 : memref<128x32xf32, #tpu.memory_space<vmem>>)
      %dma_wait3A_275 = arith.constant 3 : i32
      %dma_wait3A_276 = arith.constant 3 : i32
      %dma_wait3A_277 = arith.constant 3 : i32
      %dma_wait3A_278 = arith.constant 0 : i32
      %dma_wait3A_279 = arith.constant 0 : i32
      %dma_wait3A_280 = tpu.memref_slice %arg23[%dma_wait3A_277, %dma_wait3A_278, %dma_wait3A_279] : memref<4x128x32xf32, #tpu.memory_space<vmem>> -> memref<1x128x32xf32, #tpu.memory_space<vmem>>
      %dma_wait3A_281 = tpu.memref_squeeze %dma_wait3A_280 : memref<1x128x32xf32, #tpu.memory_space<vmem>> -> memref<128x32xf32, #tpu.memory_space<vmem>>
      %dma_wait3A_282 = arith.constant 0 : i32
      %dma_wait3A_283 = tpu.memref_slice %arg18[%dma_wait3A_276, %dma_wait3A_282] : memref<4x128xi32, #tpu.memory_space<vmem>> -> memref<1x128xi32, #tpu.memory_space<vmem>>
      %dma_wait3A_284 = tpu.memref_squeeze %dma_wait3A_283 : memref<1x128xi32, #tpu.memory_space<vmem>> -> memref<128xi32, #tpu.memory_space<vmem>>
      %dma_wait3A_285 = arith.constant 0 : i32
      %dma_wait3A_286 = arith.constant 0 : i32
      %dma_wait3A_287 = tpu.memref_slice %arg9[%dma_wait3A_275, %dma_wait3A_285, %dma_wait3A_286] : memref<4x1000x32xf32, #tpu.memory_space<hbm>> -> memref<1x1000x32xf32, #tpu.memory_space<hbm>>
      %dma_wait3A_288 = tpu.memref_squeeze %dma_wait3A_287 : memref<1x1000x32xf32, #tpu.memory_space<hbm>> -> memref<1000x32xf32, #tpu.memory_space<hbm>>
      %dma_wait3A_289 = arith.constant 0 : i32
      %dma_wait3A_290 = arith.constant 0 : i32
      %dma_wait3A_291 = tpu.memref_slice %dma_wait3A_288[%dma_wait3A_289, %dma_wait3A_290] : memref<1000x32xf32, #tpu.memory_space<hbm>> -> memref<1000x32xf32, #tpu.memory_space<hbm>>
      tpu.wait_indirect_dma semaphore(%arg31 : memref<!tpu.dma_semaphore, #tpu.memory_space<semaphore_mem>>) src(%dma_wait3A_291 : memref<1000x32xf32, #tpu.memory_space<hbm>>) dst(%dma_wait3A_281 : memref<128x32xf32, #tpu.memory_space<vmem>>)
      %dma_wait3A_292 = arith.constant 3 : i32
      %dma_wait3A_293 = arith.constant 3 : i32
      %dma_wait3A_294 = arith.constant 0 : i32
      %dma_wait3A_295 = arith.constant 0 : i32
      %dma_wait3A_296 = tpu.memref_slice %arg24[%dma_wait3A_293, %dma_wait3A_294, %dma_wait3A_295] : memref<4x128x32xf32, #tpu.memory_space<vmem>> -> memref<1x128x32xf32, #tpu.memory_space<vmem>>
      %dma_wait3A_297 = tpu.memref_squeeze %dma_wait3A_296 : memref<1x128x32xf32, #tpu.memory_space<vmem>> -> memref<128x32xf32, #tpu.memory_space<vmem>>
      %dma_wait3A_298 = arith.constant 0 : i32
      %dma_wait3A_299 = arith.constant 0 : i32
      %dma_wait3A_300 = tpu.memref_slice %arg10[%dma_wait3A_292, %dma_wait3A_298, %dma_wait3A_299] : memref<4x100000x32xf32, #tpu.memory_space<hbm>> -> memref<1x100000x32xf32, #tpu.memory_space<hbm>>
      %dma_wait3A_301 = tpu.memref_squeeze %dma_wait3A_300 : memref<1x100000x32xf32, #tpu.memory_space<hbm>> -> memref<100000x32xf32, #tpu.memory_space<hbm>>
      %dma_wait3A_302 = arith.constant 0 : i32
      %dma_wait3A_303 = arith.constant 0 : i32
      %dma_wait3A_304 = tpu.memref_slice %dma_wait3A_301[%dma_wait3A_302, %dma_wait3A_303] : memref<100000x32xf32, #tpu.memory_space<hbm>> -> memref<100000x32xf32, #tpu.memory_space<hbm>>
      tpu.wait_indirect_dma semaphore(%arg31 : memref<!tpu.dma_semaphore, #tpu.memory_space<semaphore_mem>>) src(%dma_wait3A_304 : memref<100000x32xf32, #tpu.memory_space<hbm>>) dst(%dma_wait3A_297 : memref<128x32xf32, #tpu.memory_space<vmem>>)
      %scan3A_305 = arith.constant 0 : i32
      %scan3A_306 = arith.constant 0 : i32
      %scan3A_307 = arith.constant 128 : i32
      %scan3A_308 = arith.addi %scan3A_306, %scan3A_307 : i32
      %scan3A_309 = arith.constant 1 : i32
      %scan3A_310 = scf.for %scan3A_322 = %scan3A_306 to %scan3A_308 step %scan3A_309 iter_args(%scan3A_323 = %scan3A_305) -> (i32)  : i32 {
        %mul3A_324 = arith.constant 16 : i32
        %mul3A_325 = arith.muli %scan3A_322, %mul3A_324 : i32
        %get3A = arith.index_cast %mul3A_325 : i32 to index
        %get3A_326 = tpu.vector_load %arg28[%get3A] {strides = array<i32>} : memref<2048xf32, #tpu.memory_space<vmem>>, vector<16xf32>,
        %get3A_327 = vector.shape_cast %get3A_326 : vector<16xf32> to vector<16xf32>
        %get3A_328 = arith.constant 0 : i32
        %get3A_329 = arith.index_cast %get3A_328 : i32 to index
        %get3A_330 = arith.index_cast %scan3A_322 : i32 to index
        %get3A_331 = arith.constant 0 : index
        %get3A_332 = tpu.vector_load %arg23[%get3A_329, %get3A_330, %get3A_331] {strides = array<i32>} : memref<4x128x32xf32, #tpu.memory_space<vmem>>, vector<1x1x16xf32>,
        %get3A_333 = vector.shape_cast %get3A_332 : vector<1x1x16xf32> to vector<16xf32>
        %get3A_334 = arith.constant 0 : i32
        %get3A_335 = arith.index_cast %get3A_334 : i32 to index
        %get3A_336 = arith.index_cast %scan3A_322 : i32 to index
        %get3A_337 = arith.constant 0 : index
        %get3A_338 = tpu.vector_load %arg24[%get3A_335, %get3A_336, %get3A_337] {strides = array<i32>} : memref<4x128x32xf32, #tpu.memory_space<vmem>>, vector<1x1x16xf32>,
        %get3A_339 = vector.shape_cast %get3A_338 : vector<1x1x16xf32> to vector<16xf32>
        %mul3A_340 = arith.mulf %get3A_333, %get3A_339 : vector<16xf32>
        %add3A_341 = arith.addf %get3A_327, %mul3A_340 : vector<16xf32>
        %get3A_342 = arith.constant 0 : i32
        %get3A_343 = arith.index_cast %get3A_342 : i32 to index
        %get3A_344 = arith.index_cast %scan3A_322 : i32 to index
        %get3A_345 = arith.constant 16 : index
        %get3A_346 = tpu.vector_load %arg23[%get3A_343, %get3A_344, %get3A_345] {strides = array<i32>} : memref<4x128x32xf32, #tpu.memory_space<vmem>>, vector<1x1x16xf32>,
        %get3A_347 = vector.shape_cast %get3A_346 : vector<1x1x16xf32> to vector<16xf32>
        %get3A_348 = arith.constant 0 : i32
        %get3A_349 = arith.index_cast %get3A_348 : i32 to index
        %get3A_350 = arith.index_cast %scan3A_322 : i32 to index
        %get3A_351 = arith.constant 16 : index
        %get3A_352 = tpu.vector_load %arg24[%get3A_349, %get3A_350, %get3A_351] {strides = array<i32>} : memref<4x128x32xf32, #tpu.memory_space<vmem>>, vector<1x1x16xf32>,
        %get3A_353 = vector.shape_cast %get3A_352 : vector<1x1x16xf32> to vector<16xf32>
        %mul3A_354 = arith.mulf %get3A_347, %get3A_353 : vector<16xf32>
        %add3A_355 = arith.addf %add3A_341, %mul3A_354 : vector<16xf32>
        %get3A_356 = arith.constant 1 : i32
        %get3A_357 = arith.index_cast %get3A_356 : i32 to index
        %get3A_358 = arith.index_cast %scan3A_322 : i32 to index
        %get3A_359 = arith.constant 0 : index
        %get3A_360 = tpu.vector_load %arg23[%get3A_357, %get3A_358, %get3A_359] {strides = array<i32>} : memref<4x128x32xf32, #tpu.memory_space<vmem>>, vector<1x1x16xf32>,
        %get3A_361 = vector.shape_cast %get3A_360 : vector<1x1x16xf32> to vector<16xf32>
        %get3A_362 = arith.constant 1 : i32
        %get3A_363 = arith.index_cast %get3A_362 : i32 to index
        %get3A_364 = arith.index_cast %scan3A_322 : i32 to index
        %get3A_365 = arith.constant 0 : index
        %get3A_366 = tpu.vector_load %arg24[%get3A_363, %get3A_364, %get3A_365] {strides = array<i32>} : memref<4x128x32xf32, #tpu.memory_space<vmem>>, vector<1x1x16xf32>,
        %get3A_367 = vector.shape_cast %get3A_366 : vector<1x1x16xf32> to vector<16xf32>
        %mul3A_368 = arith.mulf %get3A_361, %get3A_367 : vector<16xf32>
        %add3A_369 = arith.addf %add3A_355, %mul3A_368 : vector<16xf32>
        %get3A_370 = arith.constant 1 : i32
        %get3A_371 = arith.index_cast %get3A_370 : i32 to index
        %get3A_372 = arith.index_cast %scan3A_322 : i32 to index
        %get3A_373 = arith.constant 16 : index
        %get3A_374 = tpu.vector_load %arg23[%get3A_371, %get3A_372, %get3A_373] {strides = array<i32>} : memref<4x128x32xf32, #tpu.memory_space<vmem>>, vector<1x1x16xf32>,
        %get3A_375 = vector.shape_cast %get3A_374 : vector<1x1x16xf32> to vector<16xf32>
        %get3A_376 = arith.constant 1 : i32
        %get3A_377 = arith.index_cast %get3A_376 : i32 to index
        %get3A_378 = arith.index_cast %scan3A_322 : i32 to index
        %get3A_379 = arith.constant 16 : index
        %get3A_380 = tpu.vector_load %arg24[%get3A_377, %get3A_378, %get3A_379] {strides = array<i32>} : memref<4x128x32xf32, #tpu.memory_space<vmem>>, vector<1x1x16xf32>,
        %get3A_381 = vector.shape_cast %get3A_380 : vector<1x1x16xf32> to vector<16xf32>
        %mul3A_382 = arith.mulf %get3A_375, %get3A_381 : vector<16xf32>
        %add3A_383 = arith.addf %add3A_369, %mul3A_382 : vector<16xf32>
        %get3A_384 = arith.constant 2 : i32
        %get3A_385 = arith.index_cast %get3A_384 : i32 to index
        %get3A_386 = arith.index_cast %scan3A_322 : i32 to index
        %get3A_387 = arith.constant 0 : index
        %get3A_388 = tpu.vector_load %arg23[%get3A_385, %get3A_386, %get3A_387] {strides = array<i32>} : memref<4x128x32xf32, #tpu.memory_space<vmem>>, vector<1x1x16xf32>,
        %get3A_389 = vector.shape_cast %get3A_388 : vector<1x1x16xf32> to vector<16xf32>
        %get3A_390 = arith.constant 2 : i32
        %get3A_391 = arith.index_cast %get3A_390 : i32 to index
        %get3A_392 = arith.index_cast %scan3A_322 : i32 to index
        %get3A_393 = arith.constant 0 : index
        %get3A_394 = tpu.vector_load %arg24[%get3A_391, %get3A_392, %get3A_393] {strides = array<i32>} : memref<4x128x32xf32, #tpu.memory_space<vmem>>, vector<1x1x16xf32>,
        %get3A_395 = vector.shape_cast %get3A_394 : vector<1x1x16xf32> to vector<16xf32>
        %mul3A_396 = arith.mulf %get3A_389, %get3A_395 : vector<16xf32>
        %add3A_397 = arith.addf %add3A_383, %mul3A_396 : vector<16xf32>
        %get3A_398 = arith.constant 2 : i32
        %get3A_399 = arith.index_cast %get3A_398 : i32 to index
        %get3A_400 = arith.index_cast %scan3A_322 : i32 to index
        %get3A_401 = arith.constant 16 : index
        %get3A_402 = tpu.vector_load %arg23[%get3A_399, %get3A_400, %get3A_401] {strides = array<i32>} : memref<4x128x32xf32, #tpu.memory_space<vmem>>, vector<1x1x16xf32>,
        %get3A_403 = vector.shape_cast %get3A_402 : vector<1x1x16xf32> to vector<16xf32>
        %get3A_404 = arith.constant 2 : i32
        %get3A_405 = arith.index_cast %get3A_404 : i32 to index
        %get3A_406 = arith.index_cast %scan3A_322 : i32 to index
        %get3A_407 = arith.constant 16 : index
        %get3A_408 = tpu.vector_load %arg24[%get3A_405, %get3A_406, %get3A_407] {strides = array<i32>} : memref<4x128x32xf32, #tpu.memory_space<vmem>>, vector<1x1x16xf32>,
        %get3A_409 = vector.shape_cast %get3A_408 : vector<1x1x16xf32> to vector<16xf32>
        %mul3A_410 = arith.mulf %get3A_403, %get3A_409 : vector<16xf32>
        %add3A_411 = arith.addf %add3A_397, %mul3A_410 : vector<16xf32>
        %get3A_412 = arith.constant 3 : i32
        %get3A_413 = arith.index_cast %get3A_412 : i32 to index
        %get3A_414 = arith.index_cast %scan3A_322 : i32 to index
        %get3A_415 = arith.constant 0 : index
        %get3A_416 = tpu.vector_load %arg23[%get3A_413, %get3A_414, %get3A_415] {strides = array<i32>} : memref<4x128x32xf32, #tpu.memory_space<vmem>>, vector<1x1x16xf32>,
        %get3A_417 = vector.shape_cast %get3A_416 : vector<1x1x16xf32> to vector<16xf32>
        %get3A_418 = arith.constant 3 : i32
        %get3A_419 = arith.index_cast %get3A_418 : i32 to index
        %get3A_420 = arith.index_cast %scan3A_322 : i32 to index
        %get3A_421 = arith.constant 0 : index
        %get3A_422 = tpu.vector_load %arg24[%get3A_419, %get3A_420, %get3A_421] {strides = array<i32>} : memref<4x128x32xf32, #tpu.memory_space<vmem>>, vector<1x1x16xf32>,
        %get3A_423 = vector.shape_cast %get3A_422 : vector<1x1x16xf32> to vector<16xf32>
        %mul3A_424 = arith.mulf %get3A_417, %get3A_423 : vector<16xf32>
        %add3A_425 = arith.addf %add3A_411, %mul3A_424 : vector<16xf32>
        %get3A_426 = arith.constant 3 : i32
        %get3A_427 = arith.index_cast %get3A_426 : i32 to index
        %get3A_428 = arith.index_cast %scan3A_322 : i32 to index
        %get3A_429 = arith.constant 16 : index
        %get3A_430 = tpu.vector_load %arg23[%get3A_427, %get3A_428, %get3A_429] {strides = array<i32>} : memref<4x128x32xf32, #tpu.memory_space<vmem>>, vector<1x1x16xf32>,
        %get3A_431 = vector.shape_cast %get3A_430 : vector<1x1x16xf32> to vector<16xf32>
        %get3A_432 = arith.constant 3 : i32
        %get3A_433 = arith.index_cast %get3A_432 : i32 to index
        %get3A_434 = arith.index_cast %scan3A_322 : i32 to index
        %get3A_435 = arith.constant 16 : index
        %get3A_436 = tpu.vector_load %arg24[%get3A_433, %get3A_434, %get3A_435] {strides = array<i32>} : memref<4x128x32xf32, #tpu.memory_space<vmem>>, vector<1x1x16xf32>,
        %get3A_437 = vector.shape_cast %get3A_436 : vector<1x1x16xf32> to vector<16xf32>
        %mul3A_438 = arith.mulf %get3A_431, %get3A_437 : vector<16xf32>
        %add3A_439 = arith.addf %add3A_425, %mul3A_438 : vector<16xf32>
        %mul3A_440 = arith.constant 16 : i32
        %mul3A_441 = arith.muli %scan3A_322, %mul3A_440 : i32
        %swap3A = arith.index_cast %mul3A_441 : i32 to index
        %swap3A_442 = tpu.vector_load %arg28[%swap3A] {strides = array<i32>} : memref<2048xf32, #tpu.memory_space<vmem>>, vector<16xf32>,
        %swap3A_443 = vector.shape_cast %swap3A_442 : vector<16xf32> to vector<16xf32>
        %swap3A_444 = vector.shape_cast %add3A_439 : vector<16xf32> to vector<16xf32>
        tpu.vector_store %arg28[%swap3A], %swap3A_444 {strides = array<i32>} : memref<2048xf32, #tpu.memory_space<vmem>>, vector<16xf32>,
        %scan3A_445 = arith.constant 0 : i32
        scf.yield %scan3A_445 : i32
      }
      %scan3A_311 = arith.constant 128 : i32
      %scan3A_312 = arith.constant 0 : i32
      %scan3A_313 = arith.constant 0 : i32
      %scan3A_314 = arith.constant 8 : i32
      %scan3A_315 = arith.addi %scan3A_313, %scan3A_314 : i32
      %scan3A_316 = arith.constant 1 : i32
      %scan3A_317 = scf.for %scan3A_322 = %scan3A_313 to %scan3A_315 step %scan3A_316 iter_args(%scan3A_323 = %scan3A_312) -> (i32)  : i32 {
        %get3A = arith.constant 0 : index
        %get3A_324 = tpu.vector_load %arg27[%get3A] {strides = array<i32>} : memref<16xf32, #tpu.memory_space<vmem>>, vector<16xf32>,
        %get3A_325 = vector.shape_cast %get3A_324 : vector<16xf32> to vector<16xf32>
        %mul3A_326 = arith.constant 16 : i32
        %mul3A_327 = arith.muli %scan3A_322, %mul3A_326 : i32
        %get3A_328 = arith.index_cast %mul3A_327 : i32 to index
        %get3A_329 = tpu.vector_load %arg25[%get3A_328] {strides = array<i32>} : memref<128xf32, #tpu.memory_space<vmem>>, vector<16xf32>,
        %get3A_330 = vector.shape_cast %get3A_329 : vector<16xf32> to vector<16xf32>
        %add3A_331 = arith.addf %get3A_325, %get3A_330 : vector<16xf32>
        %mul3A_332 = arith.constant 16 : i32
        %mul3A_333 = arith.muli %scan3A_322, %mul3A_332 : i32
        %get3A_334 = arith.index_cast %mul3A_333 : i32 to index
        %get3A_335 = tpu.vector_load %arg26[%get3A_334] {strides = array<i32>} : memref<128xf32, #tpu.memory_space<vmem>>, vector<16xf32>,
        %get3A_336 = vector.shape_cast %get3A_335 : vector<16xf32> to vector<16xf32>
        %add3A_337 = arith.addf %add3A_331, %get3A_336 : vector<16xf32>
        %mul3A_338 = arith.constant 16 : i32
        %mul3A_339 = arith.muli %scan3A_322, %mul3A_338 : i32
        %swap3A = arith.index_cast %mul3A_339 : i32 to index
        %swap3A_340 = tpu.vector_load %arg29[%swap3A] {strides = array<i32>} : memref<128xf32, #tpu.memory_space<vmem>>, vector<16xf32>,
        %swap3A_341 = vector.shape_cast %swap3A_340 : vector<16xf32> to vector<16xf32>
        %swap3A_342 = vector.shape_cast %add3A_337 : vector<16xf32> to vector<16xf32>
        tpu.vector_store %arg29[%swap3A], %swap3A_342 {strides = array<i32>} : memref<128xf32, #tpu.memory_space<vmem>>, vector<16xf32>,
        %scan3A_343 = arith.constant 0 : i32
        scf.yield %scan3A_343 : i32
      }
      %scan3A_318 = arith.constant 8 : i32
      %mul3A_319 = arith.constant 16 : i32
      %mul3A_320 = arith.muli %add3A_173, %mul3A_319 : i32
      "tpu.region"() ({
        %run_scoped3A_322 = tpu.sem_alloc : memref<!tpu.dma_semaphore, #tpu.memory_space<semaphore_mem>>
        %dma_start3A_323 = tpu.memref_slice %arg14[%mul3A_320] : memref<262144xf32, #tpu.memory_space<hbm>> -> memref<2048xf32, #tpu.memory_space<hbm>>
        %dma_start3A_324 = tpu.memref_slice %arg14[%mul3A_320] : memref<262144xf32, #tpu.memory_space<hbm>> -> memref<2048xf32, #tpu.memory_space<hbm>>
        tpu.enqueue_dma source(%arg28 : memref<2048xf32, #tpu.memory_space<vmem>>) target(%dma_start3A_324 : memref<2048xf32, #tpu.memory_space<hbm>>) target_semaphore(%run_scoped3A_322 : memref<!tpu.dma_semaphore, #tpu.memory_space<semaphore_mem>>)
        %dma_wait3A_325 = tpu.memref_slice %arg14[%mul3A_320] : memref<262144xf32, #tpu.memory_space<hbm>> -> memref<2048xf32, #tpu.memory_space<hbm>>
        %dma_wait3A_326 = tpu.memref_slice %arg14[%mul3A_320] : memref<262144xf32, #tpu.memory_space<hbm>> -> memref<2048xf32, #tpu.memory_space<hbm>>
        tpu.wait_dma2 semaphore(%run_scoped3A_322 : memref<!tpu.dma_semaphore, #tpu.memory_space<semaphore_mem>>) src(%arg28 : memref<2048xf32, #tpu.memory_space<vmem>>) dst(%dma_wait3A_326 : memref<2048xf32, #tpu.memory_space<hbm>>)
        tpu.yield
      }) : () -> ()
      "tpu.region"() ({
        %run_scoped3A_322 = tpu.sem_alloc : memref<!tpu.dma_semaphore, #tpu.memory_space<semaphore_mem>>
        %dma_start3A_323 = tpu.memref_slice %arg15[%add3A_173] : memref<16384xf32, #tpu.memory_space<hbm>> -> memref<128xf32, #tpu.memory_space<hbm>>
        %dma_start3A_324 = tpu.memref_slice %arg15[%add3A_173] : memref<16384xf32, #tpu.memory_space<hbm>> -> memref<128xf32, #tpu.memory_space<hbm>>
        tpu.enqueue_dma source(%arg29 : memref<128xf32, #tpu.memory_space<vmem>>) target(%dma_start3A_324 : memref<128xf32, #tpu.memory_space<hbm>>) target_semaphore(%run_scoped3A_322 : memref<!tpu.dma_semaphore, #tpu.memory_space<semaphore_mem>>)
        %dma_wait3A_325 = tpu.memref_slice %arg15[%add3A_173] : memref<16384xf32, #tpu.memory_space<hbm>> -> memref<128xf32, #tpu.memory_space<hbm>>
        %dma_wait3A_326 = tpu.memref_slice %arg15[%add3A_173] : memref<16384xf32, #tpu.memory_space<hbm>> -> memref<128xf32, #tpu.memory_space<hbm>>
        tpu.wait_dma2 semaphore(%run_scoped3A_322 : memref<!tpu.dma_semaphore, #tpu.memory_space<semaphore_mem>>) src(%arg29 : memref<128xf32, #tpu.memory_space<vmem>>) dst(%dma_wait3A_326 : memref<128xf32, #tpu.memory_space<hbm>>)
        tpu.yield
      }) : () -> ()
      %scan3A_321 = arith.constant 0 : i32
      scf.yield %scan3A_321 : i32
    }
    %scan3A_8 = arith.constant 4 : i32
    return
  }
}

module attributes {stable_mosaic.version = 14 : i64} {
  func.func @_tc_body(%arg0: i32, %arg1: memref<2048x16xf32, #tpu.memory_space<vmem>>, %arg2: memref<2048xf32, #tpu.memory_space<vmem>>, %arg3: memref<2048xf32, #tpu.memory_space<vmem>>) attributes {dimension_semantics = [#tpu.dimension_semantics<arbitrary>], iteration_bounds = array<i64: 8>, scalar_prefetch = 0 : i64, scratch_operands = 0 : i64, tpu.core_type = #tpu.core_type<tc>, window_params = [{transform_indices = @transform_0, window_bounds = array<i64: 2048, 16>}, {transform_indices = @transform_1, window_bounds = array<i64: 2048>}, {transform_indices = @transform_2, window_bounds = array<i64: 2048>}]} {
    %get3A = arith.constant 0 : index
    %get3A_0 = arith.constant 0 : index
    %get3A_1 = vector.load %arg1[%get3A, %get3A_0] : memref<2048x16xf32, #tpu.memory_space<vmem>>, vector<2048x16xf32>
    %reduce_sum3A = arith.constant dense<0.000000e+00> : vector<2048xf32>
    %reduce_sum3A_2 = vector.multi_reduction <add>, %get3A_1, %reduce_sum3A [1] : vector<2048x16xf32> to vector<2048xf32>
    %get3A_3 = arith.constant 0 : index
    %get3A_4 = vector.load %arg2[%get3A_3] : memref<2048xf32, #tpu.memory_space<vmem>>, vector<2048xf32>
    %add3A = arith.addf %reduce_sum3A_2, %get3A_4 : vector<2048xf32>
    %swap3A = arith.constant 0 : index
    %swap3A_5 = vector.load %arg3[%swap3A] : memref<2048xf32, #tpu.memory_space<vmem>>, vector<2048xf32>
    tpu.vector_store %arg3[%swap3A], %add3A {strides = array<i32>} : memref<2048xf32, #tpu.memory_space<vmem>>, vector<2048xf32>,
    return
  }
  func.func @transform_0(%arg0: i32) -> (i32, i32) {
    %c0_i32 = arith.constant 0 : i32
    %c0_i32_0 = arith.constant 0 : i32
    return %arg0, %c0_i32 : i32, i32
  }
  func.func @transform_1(%arg0: i32) -> i32 {
    %c0_i32 = arith.constant 0 : i32
    return %arg0 : i32
  }
  func.func @transform_2(%arg0: i32) -> i32 {
    %c0_i32 = arith.constant 0 : i32
    return %arg0 : i32
  }
}

</mosaic_0001>

<sc_bundles>
// kernel: _call.4.cloned.1.call-start
scs
__scs_entry_jumppad:
0x0: {  	(pc) =	sbr.rel $0x88, $3  }
0x1: {  	(tag) =	ssettag $0x0;
	lr =	simm.s32 $0x1  }
0x2: {  	[smem:$0x3F95] =	sst lr;
	_ =	strace $0xD0000000  }
0x3: {  	_ = 	snop  }
0x4: {  	_ = 	snop  }
0x5: {  	_ = 	snop  }
0x6: {  	_ = 	snop  }
0x7: {  	_ = 	snop  }
__scs_overlays_trampoline_lowered:
0x8: {  	[smem:$0x3FA4] =	sst s0  }
0x9: {  	[smem:$0x3FA5] =	sst s1  }
0xa: {  	[smem:$0x3FA6] =	sst s2  }
0xb: {  	[smem:$0x3FA7] =	sst s3  }
0xc: {  	[smem:$0x3FA8] =	sst s4  }
0xd: {  	[smem:$0x3FA9] =	sst s5  }
0xe: {  	[smem:$0x3FAA] =	sst s6  }
0xf: {  	[smem:$0x3FAB] =	sst s7  }
0x10: {  	[smem:$0x3FAC] =	sst s8  }
0x11: {  	[smem:$0x3FAD] =	sst s9;
	s0 =	simm.s32 @!p0 $0x0  }
0x12: {  	s1 =	sld [smem:$0x3F93];
	s0 =	simm.s32 @p0 $0x1  }
0x13: {  	[smem:$0x3FAE] =	sst s0;
	s0 =	simm.s32 @!p1 $0x0  }
0x14: {  	s2 =	sld [smem:$0x3F92];
	s0 =	simm.s32 @p1 $0x1  }
0x15: {  	[smem:$0x3FAF] =	sst s0;
	s0 =	simm.s32 @!p2 $0x0  }
0x16: {  	s3 =	sld [smem:$0x3FDB];
	s0 =	simm.s32 @p2 $0x1  }
0x17: {  	s4 =	simm.s32 $0x1BF5;
	[smem:$0x3FB1] =	sst s0  }
0x18: {  	s0 =	sld [smem:$0x3F94];
	_ =	swait.ge [sflag:s4], $0x0  }
0x19: {  	s7 =	sld [smem:$0x3F95]  }
0x1a: {  	s8 =	sadd.s32 $0xFFFFE003, lr  }
0x1b: {  	s9 =	sadd.s32 $0xFFFFFEF7, lr;
	s5 =	simm.s32 $0xFFFFFFFF;
	p2 =	slt.u32 s8, $0xFFFFF086  }
0x1c: {  	p1 =	slt.u32 s9, $0xF7A;
	s5 =	simm.s32 @!p2 $0x0  }
0x1d: {  	s5 =	simm.s32 @p1 $0x1;
	p0 =	seq.s32 s7, s2  }
0x1e: {  	s7 =	smul.u32 @!p0 $0xF7A, s2;
	p2 =	seq.s32 @!p0 s5, $0x0  }
0x1f: {  	s9 =	smul.u32 $0xF7A, s1;
	s8 =	simm.s32 @!p0 $0x1BF5;
	p2 =	por !p2, p0  }
0x20: {  	[sflag:s8] =	ssyncset.s32 @!p0 $0xFFFFF086;
	s6 =	sadd.s32 @!p0 s3, s7;
	s7 =	simm.s32 @!p0 $0x108  }
0x21: {  	s3 =	sadd.s32 s3, s9;
	s6 =	sadd.s32 @!p0 $0x88, s6;
	s7 =	simm.s32 @p2 $0x1082  }
0x22: {  	[simem:s7], [sflag:s8] =	dma.local @!p0 [hbm:s6], $0xF7A  }
0x23: {  	s9 =	sor.u32 $0xD0000000, s2;
	s6 =	simm.s32 $0x108;
	_ =	swait.ge @!p0 [sflag:s8], $0x0  }
0x24: {  	s3 =	sadd.s32 $0x88, s3;
	s6 =	simm.s32 @!p1 $0x1082;
	[sflag:s4] =	ssyncset.s32 $0xFFFFF086  }
0x25: {  	[simem:s6], [sflag:s4] =	dma.local [hbm:s3], $0xF7A  }
0x26: {  	[smem:$0x3F95] =	sst s1;
	(tag) =	ssettag s2;
	_ =	strace s9  }
0x27: {  	s1 =	sld [smem:$0x3FA5]  }
0x28: {  	s2 =	sld [smem:$0x3FA6]  }
0x29: {  	s4 =	sld [smem:$0x3FA8]  }
0x2a: {  	p0 =	seq.s32 s5, $0x0;
	s5 =	sld [smem:$0x3FA9]  }
0x2b: {  	s6 =	sld [smem:$0x3FAA]  }
0x2c: {  	s7 =	sld [smem:$0x3FAB]  }
0x2d: {  	s3 =	simm.s32 $0x108;
	s8 =	sld [smem:$0x3FAC]  }
0x2e: {  	s3 =	simm.s32 @!p0 $0x1082;
	s9 =	sld [smem:$0x3FAD]  }
0x2f: {  	lr =	sadd.s32 s0, s3;
	s0 =	sld [smem:$0x3FA4]  }
0x30: {  	s3 =	sld [smem:$0x3FA7]  }
0x31: {  	[smem:$0x3FB0] =	sst s10  }
0x32: {  	s10 =	sld [smem:$0x3FAE];
	_ =	sdelay $0x3  }
0x33: {  	p0 =	seq.s32 s10, $0x1;
	s10 =	sld [smem:$0x3FB0];
	_ =	sdelay $0x3  }
0x34: {  	[smem:$0x3FB0] =	sst s10  }
0x35: {  	s10 =	sld [smem:$0x3FAF];
	_ =	sdelay $0x3  }
0x36: {  	p1 =	seq.s32 s10, $0x1;
	s10 =	sld [smem:$0x3FB0];
	_ =	sdelay $0x3  }
0x37: {  	[smem:$0x3FB0] =	sst s10  }
0x38: {  	s10 =	sld [smem:$0x3FB1]  }
0x39: {  	_ = 	snop;
	(pc) =	sbr.ind lr, $3  }
0x3a: {  	_ = 	snop  }
0x3b: {  	_ = 	snop  }
0x3c: {  	p2 =	seq.s32 s10, $0x1;
	s10 =	sld [smem:$0x3FB0]  }
0x3d: {  	_ =	shalt  }
0x3e: {  	_ =	shalt  }
0x3f: {  	_ =	shalt  }
0x40: {  	_ =	shalt  }
0x41: {  	_ =	shalt  }
0x42: {  	_ =	shalt  }
0x43: {  	_ =	shalt  }
0x44: {  	_ =	shalt  }
0x45: {  	_ =	shalt  }
0x46: {  	_ =	shalt  }
0x47: {  	_ =	shalt  }
0x48: {  	_ =	shalt  }
0x49: {  	_ =	shalt  }
0x4a: {  	_ =	shalt  }
0x4b: {  	_ =	shalt  }
0x4c: {  	_ =	shalt  }
0x4d: {  	_ =	shalt  }
0x4e: {  	_ =	shalt  }
0x4f: {  	_ =	shalt  }
0x50: {  	_ =	shalt  }
0x51: {  	_ =	shalt  }
0x52: {  	_ =	shalt  }
0x53: {  	_ =	shalt  }
0x54: {  	_ =	shalt  }
0x55: {  	_ =	shalt  }
0x56: {  	_ =	shalt  }
0x57: {  	_ =	shalt  }
0x58: {  	_ =	shalt  }
0x59: {  	_ =	shalt  }
0x5a: {  	_ =	shalt  }
0x5b: {  	_ =	shalt  }
0x5c: {  	_ =	shalt  }
0x5d: {  	_ =	shalt  }
0x5e: {  	_ =	shalt  }
0x5f: {  	_ =	shalt  }
0x60: {  	_ =	shalt  }
0x61: {  	_ =	shalt  }
0x62: {  	_ =	shalt  }
0x63: {  	_ =	shalt  }
0x64: {  	_ =	shalt  }
0x65: {  	_ =	shalt  }
0x66: {  	_ =	shalt  }
0x67: {  	_ =	shalt  }
0x68: {  	_ =	shalt  }
0x69: {  	_ =	shalt  }
0x6a: {  	_ =	shalt  }
0x6b: {  	_ =	shalt  }
0x6c: {  	_ =	shalt  }
0x6d: {  	_ =	shalt  }
0x6e: {  	_ =	shalt  }
0x6f: {  	_ =	shalt  }
0x70: {  	_ =	shalt  }
0x71: {  	_ =	shalt  }
0x72: {  	_ =	shalt  }
0x73: {  	_ =	shalt  }
0x74: {  	_ =	shalt  }
0x75: {  	_ =	shalt  }
0x76: {  	_ =	shalt  }
0x77: {  	_ =	shalt  }
0x78: {  	_ =	shalt  }
0x79: {  	_ =	shalt  }
0x7a: {  	_ =	shalt  }
0x7b: {  	_ =	shalt  }
0x7c: {  	_ =	shalt  }
0x7d: {  	_ =	shalt  }
0x7e: {  	_ =	shalt  }
0x7f: {  	_ =	shalt  }
0x80: {  	_ =	shalt  }
0x81: {  	_ =	shalt  }
0x82: {  	_ =	shalt  }
0x83: {  	_ =	shalt  }
0x84: {  	_ =	shalt  }
0x85: {  	_ =	shalt  }
0x86: {  	_ =	shalt  }
0x87: {  	_ =	shalt  }
.Lfunc_end0:
.L_simem_size_0:
called_computation_lowered:
.L_overlay_start_0:
0x88: {  	s2 =	sld [smem:$0x3FD9]  }
0x89: {  	s3 =	sld [smem:$0x3FFE];
	_ =	sdelay $0x1  }
0x8a: {  	s1 =	srdreg.scid  }
0x8b: {  	s0 =	sand.u32 $0x1, s1  }
0x8c: {  	s17 =	sshll.u32 s0, $0xA;
	s2 =	sadd.s32 s3, s2  }
0x8d: {  	s2 =	sadd.s32 s2, s17  }
0x8e: {  	[smem:$0x3FBC] =	sst s2  }
0x8f: {  	_ = 	snop  }
0x90: {  	s2 =	sld [smem:$0x3FC9]  }
0x91: {  	s18 =	sld [smem:$0x3FC8]  }
0x92: {  	s4 =	sld [smem:$0x3FC7]  }
0x93: {  	s5 =	sld [smem:$0x3FC5]  }
0x94: {  	s6 =	sld [smem:$0x3FC3]  }
0x95: {  	s7 =	sld [smem:$0x3FC0]  }
0x96: {  	s8 =	sld [smem:$0x3FD0];
	(tm) =	ssettm $0x1  }
0x97: {  	s9 =	sld [smem:$0x3FFB];
	_ =	sdelay $0x3  }
0x98: {  	_ =	strace s9  }
0x99: {  	s9 =	sld [smem:$0x3FFC];
	_ =	sdelay $0x3  }
0x9a: {  	_ =	strace s9  }
0x9b: {  	s9 =	sld [smem:$0x3FFD];
	_ =	sdelay $0x3  }
0x9c: {  	_ =	strace s9  }
0x9d: {  	_ =	strace $0x8FFFFFFF  }
0x9e: {  	s19 =	sld [smem:$0x3FDB];
	_ =	sdelay $0x1  }
0x9f: {  	s10 =	simm.s32 $_scs_section_size  }
0xa0: {  	s11 =	simm.s32 $_size__tile_overlayer_lowered;
	s12 =	simm.s32 $_tile_overlayer_lowered  }
0xa1: {  	s22 =	simm.s32 $0x1BFF;
	s21 =	sshll.u32 s12, $0x1;
	s9 =	sadd.s32 s10, s19  }
0xa2: {  	s13 =	simm.s32 $0x0;
	s20 =	sshll.u32 s11, $0x1;
	s11 =	sadd.s32 s21, s9  }
0xa3: {  	[timem:s13], [sflag:s22] =	dma.local [hbm:s11], s20  }
0xa4: {  	_ =	swait.ge [sflag:s22], s20  }
0xa5: {  	s10 =	ssub.s32 $0x0, s20;
	[sflag:s22] =	ssyncset.done $0x0  }
0xa6: {  	[sflag:s22] =	ssyncadd.s32 s10;
	_ =	sdelay $0x1  }
0xa7: {  	s23 =	simm.s32 $0x1B8B  }
0xa8: {  	_ =	swait.ge [sflag:s23], $0x1  }
0xa9: {  	[sflag:s23] =	ssyncset.done $0x0  }
0xaa: {  	s25 =	simm.s32 $0x1B8E;
	s24 =	sld [smem:$0x3FFE];
	[sflag:s23] =	ssyncadd.s32 $0xFFFFFFFF  }
0xab: {  	s26 =	simm.s32 $execute0_lowered;
	[smem:$0x3FD2] =	sst s25  }
0xac: {  	s11 =	sshll.u32 s26, $0x1;
	_ =	strace $0x80000046;
	[dreg:$0x1] =	wrdreg $0xFFFFFFFF  }
0xad: {  	s28 =	simm.s32 $_size_execute0_lowered;
	s9 =	sadd.s32 s9, s11;
	[dreg:$0x0] =	wrdreg $0x0  }
0xae: {  	s11 =	sshll.u32 s28, $0x1;
	[dreg:$0x2] =	wrdreg s9  }
0xaf: {  	[dreg:$0x3] =	wrdreg s11  }
0xb0: {  	[dreg:$0x4] =	wrdreg $0xC0  }
0xb1: {  	_ =	task [dreg:s13], $0x5FFFF  }
0xb2: {  	[dreg:$0x1] =	wrdreg $0xFFFFFFFF  }
0xb3: {  	[dreg:$0x0] =	wrdreg $0x60  }
0xb4: {  	[dreg:$0x2] =	wrdreg s2  }
0xb5: {  	[dreg:$0x3] =	wrdreg s18  }
0xb6: {  	[dreg:$0x4] =	wrdreg s4  }
0xb7: {  	[dreg:$0x5] =	wrdreg s24  }
0xb8: {  	[dreg:$0x6] =	wrdreg s5  }
0xb9: {  	[dreg:$0x7] =	wrdreg s6  }
0xba: {  	[dreg:$0x8] =	wrdreg s7  }
0xbb: {  	[dreg:$0x9] =	wrdreg s8  }
0xbc: {  	[dreg:$0xa] =	wrdreg $0x9  }
0xbd: {  	_ =	task.clear_ibuf [dreg:s13], $0xBFFFF;
	_ =	strace $0x90000046  }
0xbe: {  	s29 =	simm.s32 $0x9;
	_ =	strace $0x80000048  }
0xbf: {  	_ =	swait.ge [sflag:s29], $0x1  }
0xc0: {  	[sflag:s29] =	ssyncadd.s32 $0xFFFFFFFF  }
0xc1: {  	_ =	strace $0x90000048  }
0xc2: {  	_ =	sfence  }
0xc3: {  	s30 =	sld [smem:$0x0];
	_ =	sdelay $0x2  }
0xc4: {  	s31 =	sshll.u32 s1, $0xD;
	s1 =	sshrl.u32 s1, $0x2  }
0xc5: {  	s3 =	sand.u32 $0x4000, s31;
	s1 =	sadd.s32 s1, s30  }
0xc6: {  	s0 =	sor.u32 s3, s0;
	s1 =	sshll.u32 s1, $0x11  }
0xc7: {  	s0 =	sor.u32 s1, s0  }
0xc8: {  	s0 =	sadd.s32 $0x8F2B, s0  }
0xc9: {  	[sflag:s0] =	ssyncadd.remote.s32 $0x1  }
0xca: {  	_ =	sfence.sel $0xFFFF  }
0xcb: {  	[dreg:$0x0] =	wrdreg $0xFFFFFFFF;
	(pc) =	sbr.abs _section_cstart, $3  }
0xcc: {  	[dreg:$0x1] =	wrdreg $0xFFFFFFFF  }
0xcd: {  	_ =	task.clear_ibuf [dreg:s13], $0x2FFFF;
	_ =	strace $0x9FFFFFFF  }
0xce: {  	(tm) =	ssettm $0x7FFFFFFF  }
0xcf: {  	_ =	shalt  }
tec
execute0_lowered:
.L_overlay_start_1:
0x0: {  	(tag) =	ssettag $0x1  }
0x1: {  	s5 =	rddreg [dreg:$0x2]  }
0x2: {  	s0 =	rddreg [dreg:$0x3];
	s8 =	simm.s32 $0x0  }
0x3: {  	s12 =	simm.s32 $0x180;
	s6 =	simm.s32 $0x200;
	s29 =	simm.s32 $0x280  }
0x4: {  	[smem:$0x7FF] =	sst s8;
	s1 =	sadd.s32 $0x18AE00, s0;
	s10 =	sadd.s32 $0x3D5000, s0  }
0x5: {  	s25 =	srdreg.scid;
	s11 =	sadd.s32 $0x498600, s0;
	s13 =	sadd.s32 $0x61EC00, s0  }
0x6: {  	s4 =	stileid.u32;
	s14 =	sadd.s32 $0x311A00, s0;
	s15 =	sadd.s32 $0x24E400, s0  }
0x7: {  	s16 =	sadd.s32 $0x49C600, s0;
	s4 =	sshll.u32 s4, $0xA;
	s17 =	sadd.s32 $0x800, s5  }
0x8: {  	s30 =	simm.s32 $0x3;
	s18 =	sadd.s32 $0x4995A0, s0;
	s19 =	sadd.s32 $0x680680, s0  }
0x9: {  	s31 =	simm.s32 $0x80;
	s20 =	sadd.s32 $0x49A540, s0;
	s22 =	sadd.s32 $0x6E2100, s0  }
0xa: {  	_ =	strace $0x80000047;
	[dreg:$0x9] =	wrdreg s1;
	s1 =	sand.u32 $0x1, s25  }
0xb: {  	s23 =	sadd.s32 $0x49B4E0, s0;
	s24 =	sadd.s32 $0x743B80, s0;
	s2 =	ssub.s32 $0x2, s1  }
0xc: {  	s28 =	sadd.s32 $0x1800, s5;
	s0 =	simm.s32 $0x2;
	s3 =	sshrl.u32 s2, $0x1  }
0xd: {  	s25 =	simm.s32 $0x1;
	s1 =	sshll.u32 s1, $0x9;
	s2 =	ssub.s32 s2, s3  }
0xe: {  	s21 =	sor.u32 s1, s4;
	s3 =	simm.s32 $0x0;
	s26 =	smax.u32 s2, $0x1  }
0xf: {  	s2 =	simm.s32 $0x100;
	[dreg:$0xa] =	wrdreg s26;
	s26 =	sadd.s32 $0x1000, s5  }
.LBB2_1:
0x10: {  	[dreg:$0xb] =	wrdreg s3  }
0x11: {  	s1 =	rddreg [dreg:$0x6];
	s9 =	simm.s32 $0x10400  }
0x12: {  	[tilespmem:s9], [sflag:$0x3] =	stream.linear.gather [hbm4b:s1+s8], $0x10, $0x38;
	[tilespmem:$0x10C90] =	vst v63  }
0x13: {  	_ =	swait.ge [sflag:s30], $0x10  }
0x14: {  	[sflag:s30] =	ssyncset.done $0x0  }
0x15: {  	s4 =	simm.s32 $0x0;
	[sflag:s30] =	ssyncadd.s32 $0xFFFFFFF0  }
.LBB2_2:
0x16: {  	s1 =	sshll.u32 s4, $0x7  }
0x17: {  	s7 =	sadd.s32 s21, s1  }
0x18: {  	s3 =	rddreg [dreg:$0x0];
	s5 =	sshrl.u32 s7, $0x3  }
0x19: {  	s1 =	sadd.s32 s3, s5;
	s3 =	simm.s32 $0x0  }
0x1a: {  	[tilespmem:s3], [sflag:$0x3] =	stream.linear.gather [hbm4b:s1+s3], $0x80, $0x38;
	[tilespmem:$0x10C90] =	vst v63  }
0x1b: {  	_ =	swait.ge [sflag:s30], $0x80  }
0x1c: {  	[sflag:s30] =	ssyncset.done $0x0  }
0x1d: {  	[sflag:s30] =	ssyncadd.s32 $0xFFFFFF80  }
0x1e: {  	s9 =	rddreg [dreg:$0x1]  }
0x1f: {  	s1 =	sadd.s32 s9, s5  }
0x20: {  	[tilespmem:s31], [sflag:$0x3] =	stream.linear.gather [hbm4b:s1+s3], $0x80, $0x38;
	[tilespmem:$0x10C90] =	vst v63  }
0x21: {  	_ =	swait.ge [sflag:s30], $0x80  }
0x22: {  	[sflag:s30] =	ssyncset.done $0x0  }
0x23: {  	[sflag:s30] =	ssyncadd.s32 $0xFFFFFF80  }
0x24: {  	s9 =	rddreg [dreg:$0x2]  }
0x25: {  	s1 =	sadd.s32 s9, s5  }
0x26: {  	[tilespmem:s2], [sflag:$0x3] =	stream.linear.gather [hbm4b:s1+s3], $0x80, $0x38;
	[tilespmem:$0x10C90] =	vst v63  }
0x27: {  	_ =	swait.ge [sflag:s30], $0x80  }
0x28: {  	[sflag:s30] =	ssyncset.done $0x0  }
0x29: {  	s9 =	sadd.s32 s5, s17;
	[sflag:s30] =	ssyncadd.s32 $0xFFFFFF80  }
0x2a: {  	[tilespmem:s12], [sflag:$0x3] =	stream.linear.gather [hbm4b:s9+s3], $0x80, $0x38;
	[tilespmem:$0x10C90] =	vst v63  }
0x2b: {  	_ =	swait.ge [sflag:s30], $0x80  }
0x2c: {  	[sflag:s30] =	ssyncset.done $0x0  }
0x2d: {  	s9 =	sadd.s32 s5, s26;
	[sflag:s30] =	ssyncadd.s32 $0xFFFFFF80  }
0x2e: {  	[tilespmem:s6], [sflag:$0x3] =	stream.linear.gather [hbm4b:s9+s3], $0x80, $0x38;
	[tilespmem:$0x10C90] =	vst v63  }
0x2f: {  	_ =	swait.ge [sflag:s30], $0x80  }
0x30: {  	[sflag:s30] =	ssyncset.done $0x0  }
0x31: {  	s9 =	sadd.s32 s5, s28;
	[sflag:s30] =	ssyncadd.s32 $0xFFFFFF80  }
0x32: {  	[tilespmem:s29], [sflag:$0x3] =	stream.linear.gather [hbm4b:s9+s3], $0x80, $0x38;
	[tilespmem:$0x10C90] =	vst v63  }
0x33: {  	_ =	swait.ge [sflag:s30], $0x80  }
0x34: {  	[sflag:s30] =	ssyncset.done $0x0  }
0x35: {  	s9 =	simm.s32 $0x300;
	s1 =	rddreg [dreg:$0x9];
	[sflag:s30] =	ssyncadd.s32 $0xFFFFFF80  }
0x36: {  	[tilespmem:s9], [sflag:$0x1] =	stream.indirect.gather [hbm4b:s1+s31], $0x40, s3, s31, $0xb8;
	[tilespmem:$0x10C90] =	vst v63  }
0x37: {  	s9 =	simm.s32 $0x2300  }
0x38: {  	[tilespmem:s9], [sflag:$0x1] =	stream.indirect.gather [hbm4b:s14+s31], $0x40, s3, s31, $0xb8;
	[tilespmem:$0x10C90] =	vst v63  }
0x39: {  	s9 =	simm.s32 $0x4300  }
0x3a: {  	[tilespmem:s9], [sflag:$0x1] =	stream.indirect.gather [hbm4b:s10+s31], $0x40, s31, s31, $0xb8;
	[tilespmem:$0x10C90] =	vst v63  }
0x3b: {  	s9 =	simm.s32 $0x6300  }
0x3c: {  	[tilespmem:s9], [sflag:$0x1] =	stream.indirect.gather [hbm4b:s15+s31], $0x40, s31, s31, $0xb8;
	[tilespmem:$0x10C90] =	vst v63  }
0x3d: {  	s1 =	rddreg [dreg:$0x4];
	s9 =	simm.s32 $0x10300  }
0x3e: {  	[tilespmem:s9], [sflag:$0x2] =	stream.indirect.gather [hbm4b:s1+s31], $0x1, s3, s31, $0xb8;
	[tilespmem:$0x10C90] =	vst v63  }
0x3f: {  	s3 =	rddreg [dreg:$0x5];
	s9 =	simm.s32 $0x10380  }
0x40: {  	[tilespmem:s9], [sflag:$0x2] =	stream.indirect.gather [hbm4b:s3+s31], $0x1, s31, s31, $0xb8;
	[tilespmem:$0x10C90] =	vst v63  }
0x41: {  	s9 =	simm.s32 $0x8300  }
0x42: {  	[tilespmem:s9], [sflag:$0x2] =	stream.indirect.gather [hbm4b:s11+s31], $0x20, s2, s31, $0xb8;
	[tilespmem:$0x10C90] =	vst v63  }
0x43: {  	s3 =	simm.s32 $0xC300  }
0x44: {  	[tilespmem:s3], [sflag:$0x2] =	stream.indirect.gather [hbm4b:s13+s31], $0x20, s31, s31, $0xb8;
	[tilespmem:$0x10C90] =	vst v63  }
0x45: {  	s9 =	simm.s32 $0x9300  }
0x46: {  	[tilespmem:s9], [sflag:$0x2] =	stream.indirect.gather [hbm4b:s18+s31], $0x20, s12, s31, $0xb8;
	[tilespmem:$0x10C90] =	vst v63  }
0x47: {  	s3 =	simm.s32 $0xD300  }
0x48: {  	[tilespmem:s3], [sflag:$0x2] =	stream.indirect.gather [hbm4b:s19+s31], $0x20, s31, s31, $0xb8;
	[tilespmem:$0x10C90] =	vst v63  }
0x49: {  	s9 =	simm.s32 $0xA300  }
0x4a: {  	[tilespmem:s9], [sflag:$0x2] =	stream.indirect.gather [hbm4b:s20+s31], $0x20, s6, s31, $0xb8;
	[tilespmem:$0x10C90] =	vst v63  }
0x4b: {  	s3 =	simm.s32 $0xE300  }
0x4c: {  	[tilespmem:s3], [sflag:$0x2] =	stream.indirect.gather [hbm4b:s22+s31], $0x20, s31, s31, $0xb8;
	[tilespmem:$0x10C90] =	vst v63  }
0x4d: {  	s9 =	simm.s32 $0xB300  }
0x4e: {  	[tilespmem:s9], [sflag:$0x2] =	stream.indirect.gather [hbm4b:s23+s31], $0x20, s29, s31, $0xb8;
	[tilespmem:$0x10C90] =	vst v63  }
0x4f: {  	s3 =	simm.s32 $0xF300  }
0x50: {  	[tilespmem:s3], [sflag:$0x2] =	stream.indirect.gather [hbm4b:s24+s31], $0x20, s31, s31, $0xb8;
	[tilespmem:$0x10C90] =	vst v63  }
0x51: {  	_ =	swait.ge [sflag:s25], $0x2000  }
0x52: {  	[sflag:s25] =	ssyncset.done $0x0  }
0x53: {  	[sflag:s25] =	ssyncadd.s32 $0xFFFFE000  }
0x54: {  	_ =	swait.ge [sflag:s25], $0x2000  }
0x55: {  	[sflag:s25] =	ssyncset.done $0x0  }
0x56: {  	[sflag:s25] =	ssyncadd.s32 $0xFFFFE000  }
0x57: {  	_ =	swait.ge [sflag:s25], $0x2000  }
0x58: {  	[sflag:s25] =	ssyncset.done $0x0  }
0x59: {  	[sflag:s25] =	ssyncadd.s32 $0xFFFFE000  }
0x5a: {  	_ =	swait.ge [sflag:s25], $0x2000  }
0x5b: {  	[sflag:s25] =	ssyncset.done $0x0  }
0x5c: {  	s9 =	simm.s32 $0x0;
	[sflag:s25] =	ssyncadd.s32 $0xFFFFE000  }
0x5d: {  	v0 =	vld [tilespmem:s9+$0x4300]  }
0x5e: {  	v1 =	vld [tilespmem:s9+$0x300]  }
0x5f: {  	v2 =	vld [tilespmem:s9+$0x310]  }
0x60: {  	v3 =	vld [tilespmem:s9+$0x4310]  }
0x61: {  	v4 =	vld [tilespmem:s9+$0x320]  }
0x62: {  	v5 =	vld [tilespmem:s9+$0x4320]  }
0x63: {  	v6 =	vld [tilespmem:s9+$0x330]  }
0x64: {  	v7 =	vld [tilespmem:s9+$0x4330]  }
0x65: {  	v0 =	vmul.f32 v0, v1;
	v1 =	vmul.f32 v3, v2;
	v2 =	vld [tilespmem:s9+$0x2300]  }
0x66: {  	v3 =	vld [tilespmem:s9+$0x6300]  }
0x67: {  	v60 =	vld [tilespmem:s9+$0x2310];
	v0 =	vadd.f32 v1, v0;
	v1 =	vmul.f32 v5, v4  }
0x68: {  	v61 =	vld [tilespmem:s9+$0x6310]  }
0x69: {  	v62 =	vld [tilespmem:s9+$0x2320];
	v0 =	vadd.f32 v1, v0;
	v1 =	vmul.f32 v7, v6  }
0x6a: {  	v63 =	vld [tilespmem:s9+$0x6320]  }
0x6b: {  	v0 =	vadd.f32 v1, v0;
	v1 =	vmul.f32 v3, v2;
	v2 =	vld [tilespmem:s9+$0x2330]  }
0x6c: {  	v3 =	vld [tilespmem:s9+$0x6330]  }
0x6d: {  	v0 =	vadd.f32 v1, v0;
	v1 =	vmul.f32 v61, v60;
	_ =	sdelay $0x1  }
0x6e: {  	v0 =	vadd.f32 v1, v0;
	v1 =	vmul.f32 v63, v62;
	_ =	sdelay $0x1  }
0x6f: {  	v0 =	vadd.f32 v1, v0;
	v1 =	vmul.f32 v3, v2;
	_ =	sdelay $0x1  }
0x70: {  	v0 =	vadd.f32 v1, v0  }
0x71: {  	s1 =	simm.s32 $0x10410  }
0x72: {  	s3 =	simm.s32 $0x40;
	[tilespmem:s1+$0x0] =	vst v0  }
0x73: {  	v0 =	vld [tilespmem:s3+$0x4300]  }
0x74: {  	v1 =	vld [tilespmem:s3+$0x300]  }
0x75: {  	s9 =	simm.s32 $0x200;
	v2 =	vld [tilespmem:s3+$0x310]  }
.LBB2_3:
0x76: {  	p0 =	sne.s32 s9, $0x7F00;
	v3 =	vld [tilespmem:s3+$0x4310]  }
0x77: {  	v4 =	vld [tilespmem:s3+$0x320]  }
0x78: {  	v5 =	vld [tilespmem:s3+$0x4320]  }
0x79: {  	v6 =	vld [tilespmem:s3+$0x330]  }
0x7a: {  	v7 =	vld [tilespmem:s3+$0x4330]  }
0x7b: {  	v0 =	vmul.f32 v0, v1;
	v1 =	vmul.f32 v3, v2;
	v2 =	vld [tilespmem:s3+$0x2300]  }
0x7c: {  	v3 =	vld [tilespmem:s3+$0x6300]  }
0x7d: {  	v0 =	vadd.f32 v1, v0;
	v1 =	vmul.f32 v5, v4;
	v4 =	vld [tilespmem:s3+$0x2310]  }
0x7e: {  	v5 =	vld [tilespmem:s3+$0x6310]  }
0x7f: {  	v0 =	vadd.f32 v1, v0;
	v1 =	vmul.f32 v7, v6;
	v6 =	vld [tilespmem:s3+$0x2320]  }
0x80: {  	v7 =	vld [tilespmem:s3+$0x6320]  }
0x81: {  	v0 =	vadd.f32 v1, v0;
	v1 =	vmul.f32 v3, v2;
	v2 =	vld [tilespmem:s3+$0x2330]  }
0x82: {  	v3 =	vld [tilespmem:s3+$0x6330]  }
0x83: {  	v0 =	vadd.f32 v1, v0;
	v1 =	vmul.f32 v5, v4;
	_ =	sdelay $0x1  }
0x84: {  	v0 =	vadd.f32 v1, v0;
	v1 =	vmul.f32 v7, v6;
	_ =	sdelay $0x1  }
0x85: {  	v0 =	vadd.f32 v1, v0;
	v1 =	vmul.f32 v3, v2;
	_ =	sdelay $0x1  }
0x86: {  	v0 =	vadd.f32 v1, v0  }
.Ltmp0:
0x87: {  	s1 =	sadd.s32 $0x10, s1;
	(pc) =	sbr.rel @p0 .LBB2_3-.Ltmp0, $4  }
0x88: {  	s3 =	sshra.s32 s9, $0x2;
	[tilespmem:s1+$0x0] =	vst v0  }
0x89: {  	v0 =	vld [tilespmem:s3+$0x4300]  }
0x8a: {  	v1 =	vld [tilespmem:s3+$0x300]  }
0x8b: {  	s9 =	sadd.s32 $0x100, s9;
	v2 =	vld [tilespmem:s3+$0x310]  }
0x8c: {  	v3 =	vld [tilespmem:s3+$0x4310]  }
0x8d: {  	v4 =	vld [tilespmem:s3+$0x320]  }
0x8e: {  	v5 =	vld [tilespmem:s3+$0x4320]  }
0x8f: {  	v6 =	vld [tilespmem:s3+$0x330]  }
0x90: {  	v7 =	vld [tilespmem:s3+$0x4330]  }
0x91: {  	v0 =	vmul.f32 v0, v1;
	v1 =	vmul.f32 v3, v2;
	v2 =	vld [tilespmem:s3+$0x2300]  }
0x92: {  	v3 =	vld [tilespmem:s3+$0x6300]  }
0x93: {  	v60 =	vld [tilespmem:s3+$0x2310];
	v0 =	vadd.f32 v1, v0;
	v1 =	vmul.f32 v5, v4  }
0x94: {  	v61 =	vld [tilespmem:s3+$0x6310]  }
0x95: {  	v62 =	vld [tilespmem:s3+$0x2320];
	v0 =	vadd.f32 v1, v0;
	v1 =	vmul.f32 v7, v6  }
0x96: {  	v63 =	vld [tilespmem:s3+$0x6320]  }
0x97: {  	v0 =	vadd.f32 v1, v0;
	v1 =	vmul.f32 v3, v2;
	v2 =	vld [tilespmem:s3+$0x2330]  }
0x98: {  	v3 =	vld [tilespmem:s3+$0x6330]  }
0x99: {  	v0 =	vadd.f32 v1, v0;
	v1 =	vmul.f32 v61, v60;
	_ =	sdelay $0x1  }
0x9a: {  	v0 =	vadd.f32 v1, v0;
	v1 =	vmul.f32 v63, v62;
	_ =	sdelay $0x1  }
0x9b: {  	v0 =	vadd.f32 v1, v0;
	v1 =	vmul.f32 v3, v2;
	_ =	sdelay $0x1  }
0x9c: {  	v0 =	vadd.f32 v1, v0  }
0x9d: {  	s1 =	sadd.s32 $0x10, s1  }
0x9e: {  	[tilespmem:s1+$0x0] =	vst v0  }
0x9f: {  	_ =	swait.ge [sflag:s0], $0x80  }
0xa0: {  	[sflag:s0] =	ssyncset.done $0x0  }
0xa1: {  	[sflag:s0] =	ssyncadd.s32 $0xFFFFFF80  }
0xa2: {  	_ =	swait.ge [sflag:s0], $0x80  }
0xa3: {  	[sflag:s0] =	ssyncset.done $0x0  }
0xa4: {  	[sflag:s0] =	ssyncadd.s32 $0xFFFFFF80  }
0xa5: {  	_ =	swait.ge [sflag:s0], $0x1000  }
0xa6: {  	[sflag:s0] =	ssyncset.done $0x0  }
0xa7: {  	[sflag:s0] =	ssyncadd.s32 $0xFFFFF000  }
0xa8: {  	_ =	swait.ge [sflag:s0], $0x1000  }
0xa9: {  	[sflag:s0] =	ssyncset.done $0x0  }
0xaa: {  	[sflag:s0] =	ssyncadd.s32 $0xFFFFF000  }
0xab: {  	_ =	swait.ge [sflag:s0], $0x1000  }
0xac: {  	[sflag:s0] =	ssyncset.done $0x0  }
0xad: {  	[sflag:s0] =	ssyncadd.s32 $0xFFFFF000  }
0xae: {  	_ =	swait.ge [sflag:s0], $0x1000  }
0xaf: {  	[sflag:s0] =	ssyncset.done $0x0  }
0xb0: {  	[sflag:s0] =	ssyncadd.s32 $0xFFFFF000  }
0xb1: {  	_ =	swait.ge [sflag:s0], $0x1000  }
0xb2: {  	[sflag:s0] =	ssyncset.done $0x0  }
0xb3: {  	[sflag:s0] =	ssyncadd.s32 $0xFFFFF000  }
0xb4: {  	_ =	swait.ge [sflag:s0], $0x1000  }
0xb5: {  	[sflag:s0] =	ssyncset.done $0x0  }
0xb6: {  	[sflag:s0] =	ssyncadd.s32 $0xFFFFF000  }
0xb7: {  	_ =	swait.ge [sflag:s0], $0x1000  }
0xb8: {  	[sflag:s0] =	ssyncset.done $0x0  }
0xb9: {  	[sflag:s0] =	ssyncadd.s32 $0xFFFFF000  }
0xba: {  	_ =	swait.ge [sflag:s0], $0x1000  }
0xbb: {  	[sflag:s0] =	ssyncset.done $0x0  }
0xbc: {  	s1 =	simm.s32 $0x10410;
	[sflag:s0] =	ssyncadd.s32 $0xFFFFF000  }
0xbd: {  	s3 =	simm.s32 $0xFFFFF000;
	v0 =	vld [tilespmem:s1+$0x0]  }
0xbe: {  	s9 =	simm.s32 $0xFFFFC080;
	v1 =	vld [tilespmem:s3+$0x9300]  }
.LBB2_5:
0xbf: {  	p0 =	sne.s32 s9, $0xFFFFFF80;
	v2 =	vld [tilespmem:s3+$0xD300]  }
0xc0: {  	v3 =	vld [tilespmem:s3+$0x9310]  }
0xc1: {  	v4 =	vld [tilespmem:s3+$0xD310]  }
0xc2: {  	v5 =	vld [tilespmem:s3+$0xA300]  }
0xc3: {  	v6 =	vld [tilespmem:s3+$0xE300]  }
0xc4: {  	v1 =	vmul.f32 v2, v1;
	v2 =	vld [tilespmem:s3+$0xA310]  }
0xc5: {  	v7 =	vld [tilespmem:s3+$0xE310]  }
0xc6: {  	v0 =	vadd.f32 v1, v0;
	v1 =	vmul.f32 v4, v3;
	v3 =	vld [tilespmem:s3+$0xB300]  }
0xc7: {  	v4 =	vld [tilespmem:s3+$0xF300]  }
0xc8: {  	v0 =	vadd.f32 v1, v0;
	v1 =	vmul.f32 v6, v5;
	v5 =	vld [tilespmem:s3+$0xB310]  }
0xc9: {  	v6 =	vld [tilespmem:s3+$0xF310]  }
0xca: {  	v0 =	vadd.f32 v1, v0;
	v1 =	vmul.f32 v7, v2;
	v2 =	vld [tilespmem:s3+$0xC300]  }
0xcb: {  	v7 =	vld [tilespmem:s3+$0x10300]  }
0xcc: {  	v0 =	vadd.f32 v1, v0;
	v1 =	vmul.f32 v4, v3;
	v3 =	vld [tilespmem:s3+$0xC310]  }
0xcd: {  	v4 =	vld [tilespmem:s3+$0x10310]  }
0xce: {  	v0 =	vadd.f32 v1, v0;
	v1 =	vmul.f32 v6, v5;
	_ =	sdelay $0x1  }
0xcf: {  	v0 =	vadd.f32 v1, v0;
	v1 =	vmul.f32 v7, v2;
	_ =	sdelay $0x1  }
0xd0: {  	v0 =	vadd.f32 v1, v0;
	v1 =	vmul.f32 v4, v3;
	_ =	sdelay $0x1  }
.Ltmp1:
0xd1: {  	v0 =	vadd.f32 v1, v0;
	(pc) =	sbr.rel @p0 .LBB2_5-.Ltmp1, $4  }
0xd2: {  	_ = 	snop  }
0xd3: {  	[tilespmem:s1+$0x0] =	vst v0;
	s1 =	sadd.s32 $0x10, s1  }
0xd4: {  	s3 =	sshra.s32 s9, $0x2;
	v0 =	vld [tilespmem:s1+$0x0]  }
0xd5: {  	s9 =	sadd.s32 $0x80, s9;
	v1 =	vld [tilespmem:s3+$0x9300]  }
0xd6: {  	v2 =	vld [tilespmem:s3+$0xD300]  }
0xd7: {  	v3 =	vld [tilespmem:s3+$0x9310]  }
0xd8: {  	v4 =	vld [tilespmem:s3+$0xD310]  }
0xd9: {  	v5 =	vld [tilespmem:s3+$0xA300]  }
0xda: {  	v6 =	vld [tilespmem:s3+$0xE300]  }
0xdb: {  	v25 =	vld [tilespmem:s3+$0xA310];
	v1 =	vmul.f32 v2, v1  }
0xdc: {  	v7 =	vld [tilespmem:s3+$0xE310]  }
0xdd: {  	v27 =	vld [tilespmem:s3+$0xB300];
	v26 =	vmul.f32 v4, v3;
	v0 =	vadd.f32 v1, v0  }
0xde: {  	v28 =	vld [tilespmem:s3+$0xF300]  }
0xdf: {  	v30 =	vld [tilespmem:s3+$0xB310];
	v29 =	vmul.f32 v6, v5;
	v0 =	vadd.f32 v26, v0  }
0xe0: {  	v31 =	vld [tilespmem:s3+$0xF310]  }
0xe1: {  	v33 =	vld [tilespmem:s3+$0xC300];
	v32 =	vmul.f32 v7, v25;
	v0 =	vadd.f32 v29, v0  }
0xe2: {  	v34 =	vld [tilespmem:s3+$0x10300]  }
0xe3: {  	v36 =	vld [tilespmem:s3+$0xC310];
	v35 =	vmul.f32 v28, v27;
	v0 =	vadd.f32 v32, v0  }
0xe4: {  	v37 =	vld [tilespmem:s3+$0x10310]  }
0xe5: {  	v38 =	vmul.f32 v31, v30;
	v0 =	vadd.f32 v35, v0;
	_ =	sdelay $0x1  }
0xe6: {  	v39 =	vmul.f32 v34, v33;
	v0 =	vadd.f32 v38, v0;
	_ =	sdelay $0x1  }
0xe7: {  	v40 =	vmul.f32 v37, v36;
	v0 =	vadd.f32 v39, v0;
	_ =	sdelay $0x1  }
0xe8: {  	v0 =	vadd.f32 v40, v0;
	_ =	sdelay $0x1  }
0xe9: {  	[tilespmem:s1+$0x0] =	vst v0  }
0xea: {  	v0 =	vld [tilespmem:$0x10400]  }
0xeb: {  	v41 =	vld [tilespmem:$0x10300]  }
0xec: {  	v42 =	vld [tilespmem:$0x10380]  }
0xed: {  	v43 =	vld [tilespmem:$0x10400]  }
0xee: {  	v44 =	vld [tilespmem:$0x10310]  }
0xef: {  	v45 =	vld [tilespmem:$0x10390]  }
0xf0: {  	v46 =	vld [tilespmem:$0x10400]  }
0xf1: {  	v47 =	vld [tilespmem:$0x10320]  }
0xf2: {  	v8 =	vld [tilespmem:$0x103A0]  }
0xf3: {  	v9 =	vld [tilespmem:$0x10400]  }
0xf4: {  	v10 =	vld [tilespmem:$0x10330]  }
0xf5: {  	v11 =	vld [tilespmem:$0x103B0]  }
0xf6: {  	v12 =	vld [tilespmem:$0x10400]  }
0xf7: {  	v13 =	vld [tilespmem:$0x10340]  }
0xf8: {  	v14 =	vld [tilespmem:$0x103C0]  }
0xf9: {  	v15 =	vld [tilespmem:$0x10400]  }
0xfa: {  	v16 =	vld [tilespmem:$0x10350]  }
0xfb: {  	v17 =	vld [tilespmem:$0x103D0]  }
0xfc: {  	v18 =	vld [tilespmem:$0x10400]  }
0xfd: {  	v48 =	vld [tilespmem:$0x10360];
	v0 =	vadd.f32 v41, v0  }
0xfe: {  	v49 =	vld [tilespmem:$0x10400];
	v3 =	vadd.f32 v44, v43  }
0xff: {  	v51 =	vld [tilespmem:$0x10370];
	v50 =	vadd.f32 v47, v46;
	v0 =	vadd.f32 v42, v0  }
0x100: {  	v53 =	vld [tilespmem:$0x103E0];
	v52 =	vadd.f32 v10, v9;
	v3 =	vadd.f32 v45, v3  }
0x101: {  	v56 =	vld [tilespmem:$0x103F0];
	v55 =	vadd.f32 v13, v12;
	v54 =	vadd.f32 v8, v50;
	[tilespmem:$0x10C10] =	vst v0  }
0x102: {  	v58 =	vadd.f32 v16, v15;
	v57 =	vadd.f32 v11, v52;
	[tilespmem:$0x10C20] =	vst v3  }
0x103: {  	v1 =	vadd.f32 v48, v18;
	v59 =	vadd.f32 v14, v55;
	[tilespmem:$0x10C30] =	vst v54  }
0x104: {  	v61 =	vadd.f32 v51, v49;
	v60 =	vadd.f32 v17, v58;
	[tilespmem:$0x10C40] =	vst v57  }
0x105: {  	v62 =	vadd.f32 v53, v1;
	[tilespmem:$0x10C50] =	vst v59  }
0x106: {  	v63 =	vadd.f32 v56, v61;
	[tilespmem:$0x10C60] =	vst v60  }
0x107: {  	s7 =	sshll.u32 s7, $0x1;
	[tilespmem:$0x10C70] =	vst v62  }
0x108: {  	s9 =	simm.s32 $0x10410;
	s1 =	sadd.s32 s16, s7;
	[tilespmem:$0x10C80] =	vst v63  }
0x109: {  	[hbm4b:s1+s8] =	stream.linear.scatter [tilespmem:s9], [sflag:$0x3], $0x800, $0x38;
	[tilespmem:$0x10C90] =	vst v63  }
0x10a: {  	_ =	swait.ge [sflag:s30], $0x800  }
0x10b: {  	[sflag:s30] =	ssyncset.done $0x0  }
0x10c: {  	s4 =	sadd.s32 $0x1, s4;
	[sflag:s30] =	ssyncadd.s32 $0xFFFFF800  }
0x10d: {  	p0 =	sne.s32 s4, $0x4;
	s7 =	rddreg [dreg:$0x7]  }
.Ltmp2:
0x10e: {  	s9 =	simm.s32 $0x10C10;
	s1 =	sadd.s32 s7, s5;
	(pc) =	sbr.rel @p0 .LBB2_2-.Ltmp2, $4  }
0x10f: {  	[hbm4b:s1+s8] =	stream.linear.scatter [tilespmem:s9], [sflag:$0x3], $0x80, $0x38;
	[tilespmem:$0x10C90] =	vst v63  }
0x110: {  	_ =	swait.ge [sflag:s30], $0x80  }
0x111: {  	[sflag:s30] =	ssyncset.done $0x0  }
0x112: {  	[sflag:s30] =	ssyncadd.s32 $0xFFFFFF80  }
0x113: {  	s3 =	rddreg [dreg:$0xb]  }
0x114: {  	s1 =	rddreg [dreg:$0xa];
	s3 =	sadd.s32 $0x1, s3  }
0x115: {  	p0 =	sne.s32 s3, s1  }
.Ltmp3:
0x116: {  	_ = 	snop;
	(pc) =	sbr.rel @p0 .LBB2_1-.Ltmp3, $1  }
0x117: {  	_ =	sdelay $0x3  }
0x118: {  	_ =	sfence.sel $0x180000  }
0x119: {  	[bflag:$0x0] =	sbarrier.arrive $0xFFFF  }
0x11a: {  	_ =	strace $0x90000047  }
0x11b: {  	s0 =	stileid.u32;
	[bflag:$0x2] =	sbarrier.arrive $0xFFFF  }
0x11c: {  	p0 =	sne.s32 s0, $0x0;
	s0 =	rddreg [dreg:$0x8]  }
0x11d: {  	s0 =	sadd.s32 @!p0 $0x100000, s0  }
0x11e: {  	[sflag:s0] =	ssyncadd.tile.s32 @!p0 $0x1;
	_ =	shalt  }
.Lfunc_end2:
_tile_overlayer_lowered:
.L_overlay_start_2:
0x11f: {  	(tag) =	ssettag $0x2  }
0x120: {  	s0 =	rddreg [dreg:$0x0];
	s2 =	stileid.u32  }
0x121: {  	s1 =	rddreg [dreg:$0x1];
	p0 =	sne.s32 s2, $0x0  }
0x122: {  	s3 =	rddreg [dreg:$0x2];
	[bflag:$0x3] =	sbarrier.arrive $0xFFFF;
	s2 =	simm.s32 @!p0 $0x1C03  }
0x123: {  	[timem:s3], [sflag:s2] =	dma.local @!p0 [hbm:s0], s1  }
0x124: {  	s0 =	simm.s32 @!p0 $0x3  }
0x125: {  	_ =	swait.ge @!p0 [sflag:s0], s1  }
0x126: {  	s1 =	ssub.s32 @!p0 $0x0, s1;
	[sflag:s0] =	ssyncset.done @!p0 $0x0  }
0x127: {  	[sflag:s0] =	ssyncadd.s32 @!p0 s1  }
0x128: {  	[bflag:$0x3] =	sbarrier.arrive $0xFFFF  }
0x129: {  	_ =	shalt  }

</sc_bundles>
